<compile_context>
chip_gen: v7x
topology: tpu7x:2x2x1
jax: 0.10.2.dev20260603
libtpu: 0.0.44.dev20260713+nightly
codegen_flags: <defaults>
</compile_context>

<pallas_src>
import jax
import jax.numpy as jnp
from jax import lax
from jax.experimental import pallas as pl
from jax.experimental.pallas import tpu as pltpu
from jax.experimental.pallas import tpu_sc as plsc

B, C, W = 32, 16, 65536
N = 32768
L = 16
CH = 8192
NCHUNK = N // CH
ITERS = CH // L
U = 16


def _tec_body(data_hbm, param_hbm, out_hbm, tex, pbuf, ob0, ob1,
              sem0, sem1, tsem):
    nc = 2
    b = lax.axis_index("s") * nc + lax.axis_index("c")
    obufs = (ob0, ob1)
    sems = (sem0, sem1)
    tex0 = pltpu.make_async_copy(data_hbm.at[b, 0], tex, tsem)
    tex0.start()
    pltpu.sync_copy(param_hbm.at[b], pbuf)

    @plsc.parallel_loop(0, N // L, unroll=U)
    def _(j):
        s = pl.ds(j * L, L)
        pbuf[s] = pbuf[s] * float(W - 1)

    def chan(c, carry):
        @pl.when(c == 0)
        def _():
            pltpu.make_async_copy(data_hbm.at[b, 0], tex, tsem).wait()

        @pl.when(c > 0)
        def _():
            pltpu.sync_copy(data_hbm.at[b, c], tex)

        pending = {}
        for h in range(NCHUNK):
            slot = h % 2
            dst = out_hbm.at[b, c, pl.ds(h * CH, CH)]
            if h >= 2:
                pending[slot].wait()
            else:
                @pl.when(c > 0)
                def _():
                    pltpu.make_async_copy(obufs[slot], dst, sems[slot]).wait()

            @plsc.parallel_loop(0, ITERS, unroll=U)
            def _(j):
                x = pbuf[pl.ds(h * CH + j * L, L)]
                i0 = x.astype(jnp.int32)
                w = x - i0.astype(jnp.float32)
                g0 = plsc.load_gather(tex, [i0])
                g1 = plsc.load_gather(tex, [i0 + 1])
                obufs[slot][pl.ds(j * L, L)] = g0 + w * (g1 - g0)

            cp = pltpu.make_async_copy(obufs[slot], dst, sems[slot])
            cp.start()
            pending[slot] = cp
        return carry

    lax.fori_loop(0, C, chan, 0)
    for slot in range(2):
        pltpu.make_async_copy(
            obufs[slot], out_hbm.at[b, 0, pl.ds(0, CH)], sems[slot]).wait()


def kernel(data, param):
    mesh = plsc.VectorSubcoreMesh(core_axis_name="c", subcore_axis_name="s")
    f = pl.kernel(
        _tec_body,
        out_type=jax.ShapeDtypeStruct((B, C, N), jnp.float32),
        mesh=mesh,
        compiler_params=pltpu.CompilerParams(needs_layout_passes=False),
        scratch_types=[
            pltpu.VMEM((W,), jnp.float32),
            pltpu.VMEM((N,), jnp.float32),
            pltpu.VMEM((CH,), jnp.float32),
            pltpu.VMEM((CH,), jnp.float32),
            pltpu.SemaphoreType.DMA,
            pltpu.SemaphoreType.DMA,
            pltpu.SemaphoreType.DMA,
        ],
    )
    return f(data, param)

# --- scband reference (transcript-rebuilt; emitter-appended) ---
"""Pipeline reference for scband-sampler1-d-6296422056501 (READ-ONLY COPY).

The authoritative reference and input builder live on the scoring server;
editing this copy changes nothing except your own understanding.
"""

import jax, jax.numpy as jnp
import numpy as np


def setup_inputs(seed: int = 0) -> dict:
    key = jax.random.key(seed)
    k1, k2 = jax.random.split(key)
    data = jax.random.normal(k1, (32, 16, 65536), dtype=jnp.float32)
    param = jax.random.uniform(k2, (32, 32768), dtype=jnp.float32)
    return {"data": data, "param": param}


def _fetch_texture1d_bilinear(data, param):
    # data: [B, C, W] 1-D texture, param: [B, N] normalized coords in [0, 1]
    B, C, W = data.shape
    N = param.shape[1]
    x = param * (W - 1)
    x0 = jnp.floor(x)
    w = x - x0                      # fractional part, [B, N]
    i0 = jnp.clip(x0.astype(jnp.int32), 0, W - 1)
    i1 = jnp.clip(i0 + 1, 0, W - 1)
    idx0 = jnp.broadcast_to(i0[:, None, :], (B, C, N))
    idx1 = jnp.broadcast_to(i1[:, None, :], (B, C, N))
    g0 = jnp.take_along_axis(data, idx0, axis=2)   # gather low texel
    g1 = jnp.take_along_axis(data, idx1, axis=2)   # gather high texel
    wb = w[:, None, :]
    return g0 * (1.0 - wb) + g1 * wb               # [B, C, N]


def reference(data, param):
    return _fetch_texture1d_bilinear(data, param)

if __name__ == "__main__":
    import jax
    _d = setup_inputs()
    print(jax.jit(kernel)(*tuple(_d.values())))

</pallas_src>

<mosaic_0001>
#map = affine_map<(d0, d1) -> (0, 0, 0)>
#map1 = affine_map<(d0, d1) -> (0, 0)>
module attributes {stable_mosaic.version = 14 : i64} {
  func.func @_tec_body(%arg0: i32, %arg1: i32, %arg2: memref<32x16x65536xf32, #tpu.memory_space<hbm>>, %arg3: memref<32x32768xf32, #tpu.memory_space<hbm>>, %arg4: memref<32x16x32768xf32, #tpu.memory_space<hbm>>, %arg5: memref<65536xf32, #tpu.memory_space<vmem>>, %arg6: memref<32768xf32, #tpu.memory_space<vmem>>, %arg7: memref<8192xf32, #tpu.memory_space<vmem>>, %arg8: memref<8192xf32, #tpu.memory_space<vmem>>, %arg9: memref<!tpu.dma_semaphore, #tpu.memory_space<semaphore_mem>>, %arg10: memref<!tpu.dma_semaphore, #tpu.memory_space<semaphore_mem>>, %arg11: memref<!tpu.dma_semaphore, #tpu.memory_space<semaphore_mem>>) attributes {dimension_semantics = [#tpu.dimension_semantics<core_parallel>, #tpu.dimension_semantics<subcore_parallel>], iteration_bounds = array<i64: 2, 16>, scalar_prefetch = 0 : i64, scratch_operands = 7 : i64, tpu.core_type = #tpu.core_type<sc_vector_subcore>, window_params = [{transform_indices = #map}, {transform_indices = #map1}, {transform_indices = #map}]} {
    %mul3A = arith.constant 2 : i32
    %mul3A_0 = arith.muli %arg1, %mul3A : i32
    %add3A = arith.addi %mul3A_0, %arg0 : i32
    %dma_start3A = arith.constant 0 : i32
    %dma_start3A_1 = arith.constant 0 : i32
    %dma_start3A_2 = tpu.memref_slice %arg2[%add3A, %dma_start3A, %dma_start3A_1] : memref<32x16x65536xf32, #tpu.memory_space<hbm>> -> memref<1x1x65536xf32, #tpu.memory_space<hbm>>
    %dma_start3A_3 = tpu.memref_squeeze %dma_start3A_2 : memref<1x1x65536xf32, #tpu.memory_space<hbm>> -> memref<65536xf32, #tpu.memory_space<hbm>>
    %dma_start3A_4 = arith.constant 0 : i32
    %dma_start3A_5 = tpu.memref_slice %arg2[%add3A, %dma_start3A, %dma_start3A_4] : memref<32x16x65536xf32, #tpu.memory_space<hbm>> -> memref<1x1x65536xf32, #tpu.memory_space<hbm>>
    %dma_start3A_6 = tpu.memref_squeeze %dma_start3A_5 : memref<1x1x65536xf32, #tpu.memory_space<hbm>> -> memref<65536xf32, #tpu.memory_space<hbm>>
    tpu.enqueue_dma source(%dma_start3A_6 : memref<65536xf32, #tpu.memory_space<hbm>>) target(%arg5 : memref<65536xf32, #tpu.memory_space<vmem>>) target_semaphore(%arg11 : memref<!tpu.dma_semaphore, #tpu.memory_space<semaphore_mem>>)
    "tpu.region"() ({
      %run_scoped3A = tpu.sem_alloc : memref<!tpu.dma_semaphore, #tpu.memory_space<semaphore_mem>>
      %dma_start3A_27 = arith.constant 0 : i32
      %dma_start3A_28 = tpu.memref_slice %arg3[%add3A, %dma_start3A_27] : memref<32x32768xf32, #tpu.memory_space<hbm>> -> memref<1x32768xf32, #tpu.memory_space<hbm>>
      %dma_start3A_29 = tpu.memref_squeeze %dma_start3A_28 : memref<1x32768xf32, #tpu.memory_space<hbm>> -> memref<32768xf32, #tpu.memory_space<hbm>>
      %dma_start3A_30 = arith.constant 0 : i32
      %dma_start3A_31 = tpu.memref_slice %arg3[%add3A, %dma_start3A_30] : memref<32x32768xf32, #tpu.memory_space<hbm>> -> memref<1x32768xf32, #tpu.memory_space<hbm>>
      %dma_start3A_32 = tpu.memref_squeeze %dma_start3A_31 : memref<1x32768xf32, #tpu.memory_space<hbm>> -> memref<32768xf32, #tpu.memory_space<hbm>>
      tpu.enqueue_dma source(%dma_start3A_32 : memref<32768xf32, #tpu.memory_space<hbm>>) target(%arg6 : memref<32768xf32, #tpu.memory_space<vmem>>) target_semaphore(%run_scoped3A : memref<!tpu.dma_semaphore, #tpu.memory_space<semaphore_mem>>)
      %dma_wait3A_33 = arith.constant 0 : i32
      %dma_wait3A_34 = tpu.memref_slice %arg3[%add3A, %dma_wait3A_33] : memref<32x32768xf32, #tpu.memory_space<hbm>> -> memref<1x32768xf32, #tpu.memory_space<hbm>>
      %dma_wait3A_35 = tpu.memref_squeeze %dma_wait3A_34 : memref<1x32768xf32, #tpu.memory_space<hbm>> -> memref<32768xf32, #tpu.memory_space<hbm>>
      %dma_wait3A_36 = arith.constant 0 : i32
      %dma_wait3A_37 = tpu.memref_slice %arg3[%add3A, %dma_wait3A_36] : memref<32x32768xf32, #tpu.memory_space<hbm>> -> memref<1x32768xf32, #tpu.memory_space<hbm>>
      %dma_wait3A_38 = tpu.memref_squeeze %dma_wait3A_37 : memref<1x32768xf32, #tpu.memory_space<hbm>> -> memref<32768xf32, #tpu.memory_space<hbm>>
      tpu.wait_dma2 semaphore(%run_scoped3A : memref<!tpu.dma_semaphore, #tpu.memory_space<semaphore_mem>>) src(%dma_wait3A_38 : memref<32768xf32, #tpu.memory_space<hbm>>) dst(%arg6 : memref<32768xf32, #tpu.memory_space<vmem>>)
      tpu.yield
    }) : () -> ()
    %parallel_loop3A = arith.constant 0 : i32
    %parallel_loop3A_7 = arith.constant 2048 : i32
    %parallel_loop3A_8 = arith.constant 1 : i32
    scf.for %parallel_loop3A_27 = %parallel_loop3A to %parallel_loop3A_7 step %parallel_loop3A_8  : i32 {
      %parallel_loop3A_28 = arith.constant 16 : i32
      %parallel_loop3A_29 = arith.muli %parallel_loop3A_27, %parallel_loop3A_28 : i32
      %parallel_loop3A_30 = arith.index_cast %parallel_loop3A_29 : i32 to index
      %parallel_loop3A_31 = tpu.vector_load %arg6[%parallel_loop3A_30] {strides = array<i32>} : memref<32768xf32, #tpu.memory_space<vmem>>, vector<16xf32>,
      %parallel_loop3A_32 = arith.constant 6.553500e+04 : f32
      %parallel_loop3A_33 = vector.broadcast %parallel_loop3A_32 : f32 to vector<16xf32>
      %parallel_loop3A_34 = arith.mulf %parallel_loop3A_31, %parallel_loop3A_33 : vector<16xf32>
      %parallel_loop3A_35 = arith.index_cast %parallel_loop3A_29 : i32 to index
      %parallel_loop3A_36 = tpu.vector_load %arg6[%parallel_loop3A_35] {strides = array<i32>} : memref<32768xf32, #tpu.memory_space<vmem>>, vector<16xf32>,
      tpu.vector_store %arg6[%parallel_loop3A_35], %parallel_loop3A_34 {strides = array<i32>} : memref<32768xf32, #tpu.memory_space<vmem>>, vector<16xf32>,
    } {sc.loop_unroll_factor = 16 : i64, sc.parallel_access}
    %scan3A = arith.constant 0 : i32
    %scan3A_9 = arith.constant 0 : i32
    %scan3A_10 = arith.constant 16 : i32
    %scan3A_11 = arith.addi %scan3A_9, %scan3A_10 : i32
    %scan3A_12 = arith.constant 1 : i32
    scf.for %scan3A_27 = %scan3A_9 to %scan3A_11 step %scan3A_12  : i32 {
      %eq3A = arith.constant 0 : i32
      %eq3A_28 = arith.cmpi eq, %scan3A_27, %eq3A : i32
      %convert_element_type3A = arith.extui %eq3A_28 : i1 to i32
      %cond3A = arith.constant 0 : i32
      %cond3A_29 = arith.cmpi ne, %convert_element_type3A, %cond3A : i32
      scf.if %cond3A_29 {
        %dma_wait3A_92 = arith.constant 0 : i32
        %dma_wait3A_93 = arith.constant 0 : i32
        %dma_wait3A_94 = tpu.memref_slice %arg2[%add3A, %dma_wait3A_92, %dma_wait3A_93] : memref<32x16x65536xf32, #tpu.memory_space<hbm>> -> memref<1x1x65536xf32, #tpu.memory_space<hbm>>
        %dma_wait3A_95 = tpu.memref_squeeze %dma_wait3A_94 : memref<1x1x65536xf32, #tpu.memory_space<hbm>> -> memref<65536xf32, #tpu.memory_space<hbm>>
        %dma_wait3A_96 = arith.constant 0 : i32
        %dma_wait3A_97 = tpu.memref_slice %arg2[%add3A, %dma_wait3A_92, %dma_wait3A_96] : memref<32x16x65536xf32, #tpu.memory_space<hbm>> -> memref<1x1x65536xf32, #tpu.memory_space<hbm>>
        %dma_wait3A_98 = tpu.memref_squeeze %dma_wait3A_97 : memref<1x1x65536xf32, #tpu.memory_space<hbm>> -> memref<65536xf32, #tpu.memory_space<hbm>>
        tpu.wait_dma2 semaphore(%arg11 : memref<!tpu.dma_semaphore, #tpu.memory_space<semaphore_mem>>) src(%dma_wait3A_98 : memref<65536xf32, #tpu.memory_space<hbm>>) dst(%arg5 : memref<65536xf32, #tpu.memory_space<vmem>>)
      } else {
      }
      %gt3A = arith.constant 0 : i32
      %gt3A_30 = arith.cmpi sgt, %scan3A_27, %gt3A : i32
      %convert_element_type3A_31 = arith.extui %gt3A_30 : i1 to i32
      %cond3A_32 = arith.constant 0 : i32
      %cond3A_33 = arith.cmpi ne, %convert_element_type3A_31, %cond3A_32 : i32
      scf.if %cond3A_33 {
        "tpu.region"() ({
          %run_scoped3A = tpu.sem_alloc : memref<!tpu.dma_semaphore, #tpu.memory_space<semaphore_mem>>
          %dma_start3A_92 = arith.constant 0 : i32
          %dma_start3A_93 = tpu.memref_slice %arg2[%add3A, %scan3A_27, %dma_start3A_92] : memref<32x16x65536xf32, #tpu.memory_space<hbm>> -> memref<1x1x65536xf32, #tpu.memory_space<hbm>>
          %dma_start3A_94 = tpu.memref_squeeze %dma_start3A_93 : memref<1x1x65536xf32, #tpu.memory_space<hbm>> -> memref<65536xf32, #tpu.memory_space<hbm>>
          %dma_start3A_95 = arith.constant 0 : i32
          %dma_start3A_96 = tpu.memref_slice %arg2[%add3A, %scan3A_27, %dma_start3A_95] : memref<32x16x65536xf32, #tpu.memory_space<hbm>> -> memref<1x1x65536xf32, #tpu.memory_space<hbm>>
          %dma_start3A_97 = tpu.memref_squeeze %dma_start3A_96 : memref<1x1x65536xf32, #tpu.memory_space<hbm>> -> memref<65536xf32, #tpu.memory_space<hbm>>
          tpu.enqueue_dma source(%dma_start3A_97 : memref<65536xf32, #tpu.memory_space<hbm>>) target(%arg5 : memref<65536xf32, #tpu.memory_space<vmem>>) target_semaphore(%run_scoped3A : memref<!tpu.dma_semaphore, #tpu.memory_space<semaphore_mem>>)
          %dma_wait3A_98 = arith.constant 0 : i32
          %dma_wait3A_99 = tpu.memref_slice %arg2[%add3A, %scan3A_27, %dma_wait3A_98] : memref<32x16x65536xf32, #tpu.memory_space<hbm>> -> memref<1x1x65536xf32, #tpu.memory_space<hbm>>
          %dma_wait3A_100 = tpu.memref_squeeze %dma_wait3A_99 : memref<1x1x65536xf32, #tpu.memory_space<hbm>> -> memref<65536xf32, #tpu.memory_space<hbm>>
          %dma_wait3A_101 = arith.constant 0 : i32
          %dma_wait3A_102 = tpu.memref_slice %arg2[%add3A, %scan3A_27, %dma_wait3A_101] : memref<32x16x65536xf32, #tpu.memory_space<hbm>> -> memref<1x1x65536xf32, #tpu.memory_space<hbm>>
          %dma_wait3A_103 = tpu.memref_squeeze %dma_wait3A_102 : memref<1x1x65536xf32, #tpu.memory_space<hbm>> -> memref<65536xf32, #tpu.memory_space<hbm>>
          tpu.wait_dma2 semaphore(%run_scoped3A : memref<!tpu.dma_semaphore, #tpu.memory_space<semaphore_mem>>) src(%dma_wait3A_103 : memref<65536xf32, #tpu.memory_space<hbm>>) dst(%arg5 : memref<65536xf32, #tpu.memory_space<vmem>>)
          tpu.yield
        }) : () -> ()
      } else {
      }
      %gt3A_34 = arith.constant 0 : i32
      %gt3A_35 = arith.cmpi sgt, %scan3A_27, %gt3A_34 : i32
      %convert_element_type3A_36 = arith.extui %gt3A_35 : i1 to i32
      %cond3A_37 = arith.constant 0 : i32
      %cond3A_38 = arith.cmpi ne, %convert_element_type3A_36, %cond3A_37 : i32
      scf.if %cond3A_38 {
        %dma_wait3A_92 = arith.constant 0 : i32
        %dma_wait3A_93 = tpu.memref_slice %arg4[%add3A, %scan3A_27, %dma_wait3A_92] : memref<32x16x32768xf32, #tpu.memory_space<hbm>> -> memref<1x1x8192xf32, #tpu.memory_space<hbm>>
        %dma_wait3A_94 = tpu.memref_squeeze %dma_wait3A_93 : memref<1x1x8192xf32, #tpu.memory_space<hbm>> -> memref<8192xf32, #tpu.memory_space<hbm>>
        %dma_wait3A_95 = arith.constant 0 : i32
        %dma_wait3A_96 = tpu.memref_slice %arg4[%add3A, %scan3A_27, %dma_wait3A_95] : memref<32x16x32768xf32, #tpu.memory_space<hbm>> -> memref<1x1x8192xf32, #tpu.memory_space<hbm>>
        %dma_wait3A_97 = tpu.memref_squeeze %dma_wait3A_96 : memref<1x1x8192xf32, #tpu.memory_space<hbm>> -> memref<8192xf32, #tpu.memory_space<hbm>>
        tpu.wait_dma2 semaphore(%arg9 : memref<!tpu.dma_semaphore, #tpu.memory_space<semaphore_mem>>) src(%arg7 : memref<8192xf32, #tpu.memory_space<vmem>>) dst(%dma_wait3A_97 : memref<8192xf32, #tpu.memory_space<hbm>>)
      } else {
      }
      %parallel_loop3A_39 = arith.constant 0 : i32
      %parallel_loop3A_40 = arith.constant 512 : i32
      %parallel_loop3A_41 = arith.constant 1 : i32
      scf.for %parallel_loop3A_92 = %parallel_loop3A_39 to %parallel_loop3A_40 step %parallel_loop3A_41  : i32 {
        %parallel_loop3A_93 = arith.constant 16 : i32
        %parallel_loop3A_94 = arith.muli %parallel_loop3A_92, %parallel_loop3A_93 : i32
        %parallel_loop3A_95 = arith.constant 0 : i32
        %parallel_loop3A_96 = arith.addi %parallel_loop3A_95, %parallel_loop3A_94 : i32
        %parallel_loop3A_97 = arith.index_cast %parallel_loop3A_96 : i32 to index
        %parallel_loop3A_98 = tpu.vector_load %arg6[%parallel_loop3A_97] {strides = array<i32>} : memref<32768xf32, #tpu.memory_space<vmem>>, vector<16xf32>,
        %parallel_loop3A_99 = arith.fptosi %parallel_loop3A_98 : vector<16xf32> to vector<16xi32>
        %parallel_loop3A_100 = arith.sitofp %parallel_loop3A_99 : vector<16xi32> to vector<16xf32>
        %parallel_loop3A_101 = arith.subf %parallel_loop3A_98, %parallel_loop3A_100 : vector<16xf32>
        %parallel_loop3A_102 = tpu.vector_load_idx %arg5[%parallel_loop3A_99] : memref<65536xf32, #tpu.memory_space<vmem>>[vector<16xi32>], vector<16xf32>,
        %parallel_loop3A_103 = arith.constant 1 : i32
        %parallel_loop3A_104 = vector.broadcast %parallel_loop3A_103 : i32 to vector<16xi32>
        %parallel_loop3A_105 = arith.addi %parallel_loop3A_99, %parallel_loop3A_104 : vector<16xi32>
        %parallel_loop3A_106 = tpu.vector_load_idx %arg5[%parallel_loop3A_105] : memref<65536xf32, #tpu.memory_space<vmem>>[vector<16xi32>], vector<16xf32>,
        %parallel_loop3A_107 = arith.subf %parallel_loop3A_106, %parallel_loop3A_102 : vector<16xf32>
        %parallel_loop3A_108 = arith.mulf %parallel_loop3A_101, %parallel_loop3A_107 : vector<16xf32>
        %parallel_loop3A_109 = arith.addf %parallel_loop3A_102, %parallel_loop3A_108 : vector<16xf32>
        %parallel_loop3A_110 = arith.constant 16 : i32
        %parallel_loop3A_111 = arith.muli %parallel_loop3A_92, %parallel_loop3A_110 : i32
        %parallel_loop3A_112 = arith.index_cast %parallel_loop3A_111 : i32 to index
        %parallel_loop3A_113 = tpu.vector_load %arg7[%parallel_loop3A_112] {strides = array<i32>} : memref<8192xf32, #tpu.memory_space<vmem>>, vector<16xf32>,
        tpu.vector_store %arg7[%parallel_loop3A_112], %parallel_loop3A_109 {strides = array<i32>} : memref<8192xf32, #tpu.memory_space<vmem>>, vector<16xf32>,
      } {sc.loop_unroll_factor = 16 : i64, sc.parallel_access}
      %dma_start3A_42 = arith.constant 0 : i32
      %dma_start3A_43 = tpu.memref_slice %arg4[%add3A, %scan3A_27, %dma_start3A_42] : memref<32x16x32768xf32, #tpu.memory_space<hbm>> -> memref<1x1x8192xf32, #tpu.memory_space<hbm>>
      %dma_start3A_44 = tpu.memref_squeeze %dma_start3A_43 : memref<1x1x8192xf32, #tpu.memory_space<hbm>> -> memref<8192xf32, #tpu.memory_space<hbm>>
      %dma_start3A_45 = arith.constant 0 : i32
      %dma_start3A_46 = tpu.memref_slice %arg4[%add3A, %scan3A_27, %dma_start3A_45] : memref<32x16x32768xf32, #tpu.memory_space<hbm>> -> memref<1x1x8192xf32, #tpu.memory_space<hbm>>
      %dma_start3A_47 = tpu.memref_squeeze %dma_start3A_46 : memref<1x1x8192xf32, #tpu.memory_space<hbm>> -> memref<8192xf32, #tpu.memory_space<hbm>>
      tpu.enqueue_dma source(%arg7 : memref<8192xf32, #tpu.memory_space<vmem>>) target(%dma_start3A_47 : memref<8192xf32, #tpu.memory_space<hbm>>) target_semaphore(%arg9 : memref<!tpu.dma_semaphore, #tpu.memory_space<semaphore_mem>>)
      %gt3A_48 = arith.constant 0 : i32
      %gt3A_49 = arith.cmpi sgt, %scan3A_27, %gt3A_48 : i32
      %convert_element_type3A_50 = arith.extui %gt3A_49 : i1 to i32
      %cond3A_51 = arith.constant 0 : i32
      %cond3A_52 = arith.cmpi ne, %convert_element_type3A_50, %cond3A_51 : i32
      scf.if %cond3A_52 {
        %dma_wait3A_92 = arith.constant 8192 : i32
        %dma_wait3A_93 = tpu.memref_slice %arg4[%add3A, %scan3A_27, %dma_wait3A_92] : memref<32x16x32768xf32, #tpu.memory_space<hbm>> -> memref<1x1x8192xf32, #tpu.memory_space<hbm>>
        %dma_wait3A_94 = tpu.memref_squeeze %dma_wait3A_93 : memref<1x1x8192xf32, #tpu.memory_space<hbm>> -> memref<8192xf32, #tpu.memory_space<hbm>>
        %dma_wait3A_95 = arith.constant 8192 : i32
        %dma_wait3A_96 = tpu.memref_slice %arg4[%add3A, %scan3A_27, %dma_wait3A_95] : memref<32x16x32768xf32, #tpu.memory_space<hbm>> -> memref<1x1x8192xf32, #tpu.memory_space<hbm>>
        %dma_wait3A_97 = tpu.memref_squeeze %dma_wait3A_96 : memref<1x1x8192xf32, #tpu.memory_space<hbm>> -> memref<8192xf32, #tpu.memory_space<hbm>>
        tpu.wait_dma2 semaphore(%arg10 : memref<!tpu.dma_semaphore, #tpu.memory_space<semaphore_mem>>) src(%arg8 : memref<8192xf32, #tpu.memory_space<vmem>>) dst(%dma_wait3A_97 : memref<8192xf32, #tpu.memory_space<hbm>>)
      } else {
      }
      %parallel_loop3A_53 = arith.constant 0 : i32
      %parallel_loop3A_54 = arith.constant 512 : i32
      %parallel_loop3A_55 = arith.constant 1 : i32
      scf.for %parallel_loop3A_92 = %parallel_loop3A_53 to %parallel_loop3A_54 step %parallel_loop3A_55  : i32 {
        %parallel_loop3A_93 = arith.constant 16 : i32
        %parallel_loop3A_94 = arith.muli %parallel_loop3A_92, %parallel_loop3A_93 : i32
        %parallel_loop3A_95 = arith.constant 8192 : i32
        %parallel_loop3A_96 = arith.addi %parallel_loop3A_95, %parallel_loop3A_94 : i32
        %parallel_loop3A_97 = arith.index_cast %parallel_loop3A_96 : i32 to index
        %parallel_loop3A_98 = tpu.vector_load %arg6[%parallel_loop3A_97] {strides = array<i32>} : memref<32768xf32, #tpu.memory_space<vmem>>, vector<16xf32>,
        %parallel_loop3A_99 = arith.fptosi %parallel_loop3A_98 : vector<16xf32> to vector<16xi32>
        %parallel_loop3A_100 = arith.sitofp %parallel_loop3A_99 : vector<16xi32> to vector<16xf32>
        %parallel_loop3A_101 = arith.subf %parallel_loop3A_98, %parallel_loop3A_100 : vector<16xf32>
        %parallel_loop3A_102 = tpu.vector_load_idx %arg5[%parallel_loop3A_99] : memref<65536xf32, #tpu.memory_space<vmem>>[vector<16xi32>], vector<16xf32>,
        %parallel_loop3A_103 = arith.constant 1 : i32
        %parallel_loop3A_104 = vector.broadcast %parallel_loop3A_103 : i32 to vector<16xi32>
        %parallel_loop3A_105 = arith.addi %parallel_loop3A_99, %parallel_loop3A_104 : vector<16xi32>
        %parallel_loop3A_106 = tpu.vector_load_idx %arg5[%parallel_loop3A_105] : memref<65536xf32, #tpu.memory_space<vmem>>[vector<16xi32>], vector<16xf32>,
        %parallel_loop3A_107 = arith.subf %parallel_loop3A_106, %parallel_loop3A_102 : vector<16xf32>
        %parallel_loop3A_108 = arith.mulf %parallel_loop3A_101, %parallel_loop3A_107 : vector<16xf32>
        %parallel_loop3A_109 = arith.addf %parallel_loop3A_102, %parallel_loop3A_108 : vector<16xf32>
        %parallel_loop3A_110 = arith.constant 16 : i32
        %parallel_loop3A_111 = arith.muli %parallel_loop3A_92, %parallel_loop3A_110 : i32
        %parallel_loop3A_112 = arith.index_cast %parallel_loop3A_111 : i32 to index
        %parallel_loop3A_113 = tpu.vector_load %arg8[%parallel_loop3A_112] {strides = array<i32>} : memref<8192xf32, #tpu.memory_space<vmem>>, vector<16xf32>,
        tpu.vector_store %arg8[%parallel_loop3A_112], %parallel_loop3A_109 {strides = array<i32>} : memref<8192xf32, #tpu.memory_space<vmem>>, vector<16xf32>,
      } {sc.loop_unroll_factor = 16 : i64, sc.parallel_access}
      %dma_start3A_56 = arith.constant 8192 : i32
      %dma_start3A_57 = tpu.memref_slice %arg4[%add3A, %scan3A_27, %dma_start3A_56] : memref<32x16x32768xf32, #tpu.memory_space<hbm>> -> memref<1x1x8192xf32, #tpu.memory_space<hbm>>
      %dma_start3A_58 = tpu.memref_squeeze %dma_start3A_57 : memref<1x1x8192xf32, #tpu.memory_space<hbm>> -> memref<8192xf32, #tpu.memory_space<hbm>>
      %dma_start3A_59 = arith.constant 8192 : i32
      %dma_start3A_60 = tpu.memref_slice %arg4[%add3A, %scan3A_27, %dma_start3A_59] : memref<32x16x32768xf32, #tpu.memory_space<hbm>> -> memref<1x1x8192xf32, #tpu.memory_space<hbm>>
      %dma_start3A_61 = tpu.memref_squeeze %dma_start3A_60 : memref<1x1x8192xf32, #tpu.memory_space<hbm>> -> memref<8192xf32, #tpu.memory_space<hbm>>
      tpu.enqueue_dma source(%arg8 : memref<8192xf32, #tpu.memory_space<vmem>>) target(%dma_start3A_61 : memref<8192xf32, #tpu.memory_space<hbm>>) target_semaphore(%arg10 : memref<!tpu.dma_semaphore, #tpu.memory_space<semaphore_mem>>)
      %dma_wait3A_62 = arith.constant 0 : i32
      %dma_wait3A_63 = tpu.memref_slice %arg4[%add3A, %scan3A_27, %dma_wait3A_62] : memref<32x16x32768xf32, #tpu.memory_space<hbm>> -> memref<1x1x8192xf32, #tpu.memory_space<hbm>>
      %dma_wait3A_64 = tpu.memref_squeeze %dma_wait3A_63 : memref<1x1x8192xf32, #tpu.memory_space<hbm>> -> memref<8192xf32, #tpu.memory_space<hbm>>
      %dma_wait3A_65 = arith.constant 0 : i32
      %dma_wait3A_66 = tpu.memref_slice %arg4[%add3A, %scan3A_27, %dma_wait3A_65] : memref<32x16x32768xf32, #tpu.memory_space<hbm>> -> memref<1x1x8192xf32, #tpu.memory_space<hbm>>
      %dma_wait3A_67 = tpu.memref_squeeze %dma_wait3A_66 : memref<1x1x8192xf32, #tpu.memory_space<hbm>> -> memref<8192xf32, #tpu.memory_space<hbm>>
      tpu.wait_dma2 semaphore(%arg9 : memref<!tpu.dma_semaphore, #tpu.memory_space<semaphore_mem>>) src(%arg7 : memref<8192xf32, #tpu.memory_space<vmem>>) dst(%dma_wait3A_67 : memref<8192xf32, #tpu.memory_space<hbm>>)
      %parallel_loop3A_68 = arith.constant 0 : i32
      %parallel_loop3A_69 = arith.constant 512 : i32
      %parallel_loop3A_70 = arith.constant 1 : i32
      scf.for %parallel_loop3A_92 = %parallel_loop3A_68 to %parallel_loop3A_69 step %parallel_loop3A_70  : i32 {
        %parallel_loop3A_93 = arith.constant 16 : i32
        %parallel_loop3A_94 = arith.muli %parallel_loop3A_92, %parallel_loop3A_93 : i32
        %parallel_loop3A_95 = arith.constant 16384 : i32
        %parallel_loop3A_96 = arith.addi %parallel_loop3A_95, %parallel_loop3A_94 : i32
        %parallel_loop3A_97 = arith.index_cast %parallel_loop3A_96 : i32 to index
        %parallel_loop3A_98 = tpu.vector_load %arg6[%parallel_loop3A_97] {strides = array<i32>} : memref<32768xf32, #tpu.memory_space<vmem>>, vector<16xf32>,
        %parallel_loop3A_99 = arith.fptosi %parallel_loop3A_98 : vector<16xf32> to vector<16xi32>
        %parallel_loop3A_100 = arith.sitofp %parallel_loop3A_99 : vector<16xi32> to vector<16xf32>
        %parallel_loop3A_101 = arith.subf %parallel_loop3A_98, %parallel_loop3A_100 : vector<16xf32>
        %parallel_loop3A_102 = tpu.vector_load_idx %arg5[%parallel_loop3A_99] : memref<65536xf32, #tpu.memory_space<vmem>>[vector<16xi32>], vector<16xf32>,
        %parallel_loop3A_103 = arith.constant 1 : i32
        %parallel_loop3A_104 = vector.broadcast %parallel_loop3A_103 : i32 to vector<16xi32>
        %parallel_loop3A_105 = arith.addi %parallel_loop3A_99, %parallel_loop3A_104 : vector<16xi32>
        %parallel_loop3A_106 = tpu.vector_load_idx %arg5[%parallel_loop3A_105] : memref<65536xf32, #tpu.memory_space<vmem>>[vector<16xi32>], vector<16xf32>,
        %parallel_loop3A_107 = arith.subf %parallel_loop3A_106, %parallel_loop3A_102 : vector<16xf32>
        %parallel_loop3A_108 = arith.mulf %parallel_loop3A_101, %parallel_loop3A_107 : vector<16xf32>
        %parallel_loop3A_109 = arith.addf %parallel_loop3A_102, %parallel_loop3A_108 : vector<16xf32>
        %parallel_loop3A_110 = arith.constant 16 : i32
        %parallel_loop3A_111 = arith.muli %parallel_loop3A_92, %parallel_loop3A_110 : i32
        %parallel_loop3A_112 = arith.index_cast %parallel_loop3A_111 : i32 to index
        %parallel_loop3A_113 = tpu.vector_load %arg7[%parallel_loop3A_112] {strides = array<i32>} : memref<8192xf32, #tpu.memory_space<vmem>>, vector<16xf32>,
        tpu.vector_store %arg7[%parallel_loop3A_112], %parallel_loop3A_109 {strides = array<i32>} : memref<8192xf32, #tpu.memory_space<vmem>>, vector<16xf32>,
      } {sc.loop_unroll_factor = 16 : i64, sc.parallel_access}
      %dma_start3A_71 = arith.constant 16384 : i32
      %dma_start3A_72 = tpu.memref_slice %arg4[%add3A, %scan3A_27, %dma_start3A_71] : memref<32x16x32768xf32, #tpu.memory_space<hbm>> -> memref<1x1x8192xf32, #tpu.memory_space<hbm>>
      %dma_start3A_73 = tpu.memref_squeeze %dma_start3A_72 : memref<1x1x8192xf32, #tpu.memory_space<hbm>> -> memref<8192xf32, #tpu.memory_space<hbm>>
      %dma_start3A_74 = arith.constant 16384 : i32
      %dma_start3A_75 = tpu.memref_slice %arg4[%add3A, %scan3A_27, %dma_start3A_74] : memref<32x16x32768xf32, #tpu.memory_space<hbm>> -> memref<1x1x8192xf32, #tpu.memory_space<hbm>>
      %dma_start3A_76 = tpu.memref_squeeze %dma_start3A_75 : memref<1x1x8192xf32, #tpu.memory_space<hbm>> -> memref<8192xf32, #tpu.memory_space<hbm>>
      tpu.enqueue_dma source(%arg7 : memref<8192xf32, #tpu.memory_space<vmem>>) target(%dma_start3A_76 : memref<8192xf32, #tpu.memory_space<hbm>>) target_semaphore(%arg9 : memref<!tpu.dma_semaphore, #tpu.memory_space<semaphore_mem>>)
      %dma_wait3A_77 = arith.constant 8192 : i32
      %dma_wait3A_78 = tpu.memref_slice %arg4[%add3A, %scan3A_27, %dma_wait3A_77] : memref<32x16x32768xf32, #tpu.memory_space<hbm>> -> memref<1x1x8192xf32, #tpu.memory_space<hbm>>
      %dma_wait3A_79 = tpu.memref_squeeze %dma_wait3A_78 : memref<1x1x8192xf32, #tpu.memory_space<hbm>> -> memref<8192xf32, #tpu.memory_space<hbm>>
      %dma_wait3A_80 = arith.constant 8192 : i32
      %dma_wait3A_81 = tpu.memref_slice %arg4[%add3A, %scan3A_27, %dma_wait3A_80] : memref<32x16x32768xf32, #tpu.memory_space<hbm>> -> memref<1x1x8192xf32, #tpu.memory_space<hbm>>
      %dma_wait3A_82 = tpu.memref_squeeze %dma_wait3A_81 : memref<1x1x8192xf32, #tpu.memory_space<hbm>> -> memref<8192xf32, #tpu.memory_space<hbm>>
      tpu.wait_dma2 semaphore(%arg10 : memref<!tpu.dma_semaphore, #tpu.memory_space<semaphore_mem>>) src(%arg8 : memref<8192xf32, #tpu.memory_space<vmem>>) dst(%dma_wait3A_82 : memref<8192xf32, #tpu.memory_space<hbm>>)
      %parallel_loop3A_83 = arith.constant 0 : i32
      %parallel_loop3A_84 = arith.constant 512 : i32
      %parallel_loop3A_85 = arith.constant 1 : i32
      scf.for %parallel_loop3A_92 = %parallel_loop3A_83 to %parallel_loop3A_84 step %parallel_loop3A_85  : i32 {
        %parallel_loop3A_93 = arith.constant 16 : i32
        %parallel_loop3A_94 = arith.muli %parallel_loop3A_92, %parallel_loop3A_93 : i32
        %parallel_loop3A_95 = arith.constant 24576 : i32
        %parallel_loop3A_96 = arith.addi %parallel_loop3A_95, %parallel_loop3A_94 : i32
        %parallel_loop3A_97 = arith.index_cast %parallel_loop3A_96 : i32 to index
        %parallel_loop3A_98 = tpu.vector_load %arg6[%parallel_loop3A_97] {strides = array<i32>} : memref<32768xf32, #tpu.memory_space<vmem>>, vector<16xf32>,
        %parallel_loop3A_99 = arith.fptosi %parallel_loop3A_98 : vector<16xf32> to vector<16xi32>
        %parallel_loop3A_100 = arith.sitofp %parallel_loop3A_99 : vector<16xi32> to vector<16xf32>
        %parallel_loop3A_101 = arith.subf %parallel_loop3A_98, %parallel_loop3A_100 : vector<16xf32>
        %parallel_loop3A_102 = tpu.vector_load_idx %arg5[%parallel_loop3A_99] : memref<65536xf32, #tpu.memory_space<vmem>>[vector<16xi32>], vector<16xf32>,
        %parallel_loop3A_103 = arith.constant 1 : i32
        %parallel_loop3A_104 = vector.broadcast %parallel_loop3A_103 : i32 to vector<16xi32>
        %parallel_loop3A_105 = arith.addi %parallel_loop3A_99, %parallel_loop3A_104 : vector<16xi32>
        %parallel_loop3A_106 = tpu.vector_load_idx %arg5[%parallel_loop3A_105] : memref<65536xf32, #tpu.memory_space<vmem>>[vector<16xi32>], vector<16xf32>,
        %parallel_loop3A_107 = arith.subf %parallel_loop3A_106, %parallel_loop3A_102 : vector<16xf32>
        %parallel_loop3A_108 = arith.mulf %parallel_loop3A_101, %parallel_loop3A_107 : vector<16xf32>
        %parallel_loop3A_109 = arith.addf %parallel_loop3A_102, %parallel_loop3A_108 : vector<16xf32>
        %parallel_loop3A_110 = arith.constant 16 : i32
        %parallel_loop3A_111 = arith.muli %parallel_loop3A_92, %parallel_loop3A_110 : i32
        %parallel_loop3A_112 = arith.index_cast %parallel_loop3A_111 : i32 to index
        %parallel_loop3A_113 = tpu.vector_load %arg8[%parallel_loop3A_112] {strides = array<i32>} : memref<8192xf32, #tpu.memory_space<vmem>>, vector<16xf32>,
        tpu.vector_store %arg8[%parallel_loop3A_112], %parallel_loop3A_109 {strides = array<i32>} : memref<8192xf32, #tpu.memory_space<vmem>>, vector<16xf32>,
      } {sc.loop_unroll_factor = 16 : i64, sc.parallel_access}
      %dma_start3A_86 = arith.constant 24576 : i32
      %dma_start3A_87 = tpu.memref_slice %arg4[%add3A, %scan3A_27, %dma_start3A_86] : memref<32x16x32768xf32, #tpu.memory_space<hbm>> -> memref<1x1x8192xf32, #tpu.memory_space<hbm>>
      %dma_start3A_88 = tpu.memref_squeeze %dma_start3A_87 : memref<1x1x8192xf32, #tpu.memory_space<hbm>> -> memref<8192xf32, #tpu.memory_space<hbm>>
      %dma_start3A_89 = arith.constant 24576 : i32
      %dma_start3A_90 = tpu.memref_slice %arg4[%add3A, %scan3A_27, %dma_start3A_89] : memref<32x16x32768xf32, #tpu.memory_space<hbm>> -> memref<1x1x8192xf32, #tpu.memory_space<hbm>>
      %dma_start3A_91 = tpu.memref_squeeze %dma_start3A_90 : memref<1x1x8192xf32, #tpu.memory_space<hbm>> -> memref<8192xf32, #tpu.memory_space<hbm>>
      tpu.enqueue_dma source(%arg8 : memref<8192xf32, #tpu.memory_space<vmem>>) target(%dma_start3A_91 : memref<8192xf32, #tpu.memory_space<hbm>>) target_semaphore(%arg10 : memref<!tpu.dma_semaphore, #tpu.memory_space<semaphore_mem>>)
    }
    %scan3A_13 = arith.constant 16 : i32
    %dma_wait3A = arith.constant 0 : i32
    %dma_wait3A_14 = arith.constant 0 : i32
    %dma_wait3A_15 = tpu.memref_slice %arg4[%add3A, %dma_wait3A, %dma_wait3A_14] : memref<32x16x32768xf32, #tpu.memory_space<hbm>> -> memref<1x1x8192xf32, #tpu.memory_space<hbm>>
    %dma_wait3A_16 = tpu.memref_squeeze %dma_wait3A_15 : memref<1x1x8192xf32, #tpu.memory_space<hbm>> -> memref<8192xf32, #tpu.memory_space<hbm>>
    %dma_wait3A_17 = arith.constant 0 : i32
    %dma_wait3A_18 = tpu.memref_slice %arg4[%add3A, %dma_wait3A, %dma_wait3A_17] : memref<32x16x32768xf32, #tpu.memory_space<hbm>> -> memref<1x1x8192xf32, #tpu.memory_space<hbm>>
    %dma_wait3A_19 = tpu.memref_squeeze %dma_wait3A_18 : memref<1x1x8192xf32, #tpu.memory_space<hbm>> -> memref<8192xf32, #tpu.memory_space<hbm>>
    tpu.wait_dma2 semaphore(%arg9 : memref<!tpu.dma_semaphore, #tpu.memory_space<semaphore_mem>>) src(%arg7 : memref<8192xf32, #tpu.memory_space<vmem>>) dst(%dma_wait3A_19 : memref<8192xf32, #tpu.memory_space<hbm>>)
    %dma_wait3A_20 = arith.constant 0 : i32
    %dma_wait3A_21 = arith.constant 0 : i32
    %dma_wait3A_22 = tpu.memref_slice %arg4[%add3A, %dma_wait3A_20, %dma_wait3A_21] : memref<32x16x32768xf32, #tpu.memory_space<hbm>> -> memref<1x1x8192xf32, #tpu.memory_space<hbm>>
    %dma_wait3A_23 = tpu.memref_squeeze %dma_wait3A_22 : memref<1x1x8192xf32, #tpu.memory_space<hbm>> -> memref<8192xf32, #tpu.memory_space<hbm>>
    %dma_wait3A_24 = arith.constant 0 : i32
    %dma_wait3A_25 = tpu.memref_slice %arg4[%add3A, %dma_wait3A_20, %dma_wait3A_24] : memref<32x16x32768xf32, #tpu.memory_space<hbm>> -> memref<1x1x8192xf32, #tpu.memory_space<hbm>>
    %dma_wait3A_26 = tpu.memref_squeeze %dma_wait3A_25 : memref<1x1x8192xf32, #tpu.memory_space<hbm>> -> memref<8192xf32, #tpu.memory_space<hbm>>
    tpu.wait_dma2 semaphore(%arg10 : memref<!tpu.dma_semaphore, #tpu.memory_space<semaphore_mem>>) src(%arg8 : memref<8192xf32, #tpu.memory_space<vmem>>) dst(%dma_wait3A_26 : memref<8192xf32, #tpu.memory_space<hbm>>)
    return
  }
}

</mosaic_0001>

<sc_bundles>
// kernel: kernel.3.cloned.1.call-start
scs
__scs_entry_jumppad:
0x0: {  	(pc) =	sbr.rel $0x88, $3  }
0x1: {  	(tag) =	ssettag $0x0;
	lr =	simm.s32 $0x1  }
0x2: {  	[smem:$0x3F9F] =	sst lr;
	_ =	strace $0xD0000000  }
0x3: {  	_ = 	snop  }
0x4: {  	_ = 	snop  }
0x5: {  	_ = 	snop  }
0x6: {  	_ = 	snop  }
0x7: {  	_ = 	snop  }
__scs_overlays_trampoline_lowered:
0x8: {  	[smem:$0x3FAE] =	sst s0  }
0x9: {  	[smem:$0x3FAF] =	sst s1  }
0xa: {  	[smem:$0x3FB0] =	sst s2  }
0xb: {  	[smem:$0x3FB1] =	sst s3  }
0xc: {  	[smem:$0x3FB2] =	sst s4  }
0xd: {  	[smem:$0x3FB3] =	sst s5  }
0xe: {  	[smem:$0x3FB4] =	sst s6  }
0xf: {  	[smem:$0x3FB5] =	sst s7  }
0x10: {  	[smem:$0x3FB6] =	sst s8  }
0x11: {  	[smem:$0x3FB7] =	sst s9;
	s0 =	simm.s32 @!p0 $0x0  }
0x12: {  	s1 =	sld [smem:$0x3F9D];
	s0 =	simm.s32 @p0 $0x1  }
0x13: {  	[smem:$0x3FB8] =	sst s0;
	s0 =	simm.s32 @!p1 $0x0  }
0x14: {  	s2 =	sld [smem:$0x3F9C];
	s0 =	simm.s32 @p1 $0x1  }
0x15: {  	[smem:$0x3FB9] =	sst s0;
	s0 =	simm.s32 @!p2 $0x0  }
0x16: {  	s3 =	sld [smem:$0x3FDB];
	s0 =	simm.s32 @p2 $0x1  }
0x17: {  	s4 =	simm.s32 $0x1BF5;
	[smem:$0x3FBB] =	sst s0  }
0x18: {  	s0 =	sld [smem:$0x3F9E];
	_ =	swait.ge [sflag:s4], $0x0  }
0x19: {  	s7 =	sld [smem:$0x3F9F]  }
0x1a: {  	s8 =	sadd.s32 $0xFFFFE003, lr  }
0x1b: {  	s9 =	sadd.s32 $0xFFFFFEF7, lr;
	s5 =	simm.s32 $0xFFFFFFFF;
	p2 =	slt.u32 s8, $0xFFFFF086  }
0x1c: {  	p1 =	slt.u32 s9, $0xF7A;
	s5 =	simm.s32 @!p2 $0x0  }
0x1d: {  	s5 =	simm.s32 @p1 $0x1;
	p0 =	seq.s32 s7, s2  }
0x1e: {  	s7 =	smul.u32 @!p0 $0xF7A, s2;
	p2 =	seq.s32 @!p0 s5, $0x0  }
0x1f: {  	s9 =	smul.u32 $0xF7A, s1;
	s8 =	simm.s32 @!p0 $0x1BF5;
	p2 =	por !p2, p0  }
0x20: {  	[sflag:s8] =	ssyncset.s32 @!p0 $0xFFFFF086;
	s6 =	sadd.s32 @!p0 s3, s7;
	s7 =	simm.s32 @!p0 $0x108  }
0x21: {  	s3 =	sadd.s32 s3, s9;
	s6 =	sadd.s32 @!p0 $0x88, s6;
	s7 =	simm.s32 @p2 $0x1082  }
0x22: {  	[simem:s7], [sflag:s8] =	dma.local @!p0 [hbm:s6], $0xF7A  }
0x23: {  	s9 =	sor.u32 $0xD0000000, s2;
	s6 =	simm.s32 $0x108;
	_ =	swait.ge @!p0 [sflag:s8], $0x0  }
0x24: {  	s3 =	sadd.s32 $0x88, s3;
	s6 =	simm.s32 @!p1 $0x1082;
	[sflag:s4] =	ssyncset.s32 $0xFFFFF086  }
0x25: {  	[simem:s6], [sflag:s4] =	dma.local [hbm:s3], $0xF7A  }
0x26: {  	[smem:$0x3F9F] =	sst s1;
	(tag) =	ssettag s2;
	_ =	strace s9  }
0x27: {  	s1 =	sld [smem:$0x3FAF]  }
0x28: {  	s2 =	sld [smem:$0x3FB0]  }
0x29: {  	s4 =	sld [smem:$0x3FB2]  }
0x2a: {  	p0 =	seq.s32 s5, $0x0;
	s5 =	sld [smem:$0x3FB3]  }
0x2b: {  	s6 =	sld [smem:$0x3FB4]  }
0x2c: {  	s7 =	sld [smem:$0x3FB5]  }
0x2d: {  	s3 =	simm.s32 $0x108;
	s8 =	sld [smem:$0x3FB6]  }
0x2e: {  	s3 =	simm.s32 @!p0 $0x1082;
	s9 =	sld [smem:$0x3FB7]  }
0x2f: {  	lr =	sadd.s32 s0, s3;
	s0 =	sld [smem:$0x3FAE]  }
0x30: {  	s3 =	sld [smem:$0x3FB1]  }
0x31: {  	[smem:$0x3FBA] =	sst s10  }
0x32: {  	s10 =	sld [smem:$0x3FB8];
	_ =	sdelay $0x3  }
0x33: {  	p0 =	seq.s32 s10, $0x1;
	s10 =	sld [smem:$0x3FBA];
	_ =	sdelay $0x3  }
0x34: {  	[smem:$0x3FBA] =	sst s10  }
0x35: {  	s10 =	sld [smem:$0x3FB9];
	_ =	sdelay $0x3  }
0x36: {  	p1 =	seq.s32 s10, $0x1;
	s10 =	sld [smem:$0x3FBA];
	_ =	sdelay $0x3  }
0x37: {  	[smem:$0x3FBA] =	sst s10  }
0x38: {  	s10 =	sld [smem:$0x3FBB]  }
0x39: {  	_ = 	snop;
	(pc) =	sbr.ind lr, $3  }
0x3a: {  	_ = 	snop  }
0x3b: {  	_ = 	snop  }
0x3c: {  	p2 =	seq.s32 s10, $0x1;
	s10 =	sld [smem:$0x3FBA]  }
0x3d: {  	_ =	shalt  }
0x3e: {  	_ =	shalt  }
0x3f: {  	_ =	shalt  }
0x40: {  	_ =	shalt  }
0x41: {  	_ =	shalt  }
0x42: {  	_ =	shalt  }
0x43: {  	_ =	shalt  }
0x44: {  	_ =	shalt  }
0x45: {  	_ =	shalt  }
0x46: {  	_ =	shalt  }
0x47: {  	_ =	shalt  }
0x48: {  	_ =	shalt  }
0x49: {  	_ =	shalt  }
0x4a: {  	_ =	shalt  }
0x4b: {  	_ =	shalt  }
0x4c: {  	_ =	shalt  }
0x4d: {  	_ =	shalt  }
0x4e: {  	_ =	shalt  }
0x4f: {  	_ =	shalt  }
0x50: {  	_ =	shalt  }
0x51: {  	_ =	shalt  }
0x52: {  	_ =	shalt  }
0x53: {  	_ =	shalt  }
0x54: {  	_ =	shalt  }
0x55: {  	_ =	shalt  }
0x56: {  	_ =	shalt  }
0x57: {  	_ =	shalt  }
0x58: {  	_ =	shalt  }
0x59: {  	_ =	shalt  }
0x5a: {  	_ =	shalt  }
0x5b: {  	_ =	shalt  }
0x5c: {  	_ =	shalt  }
0x5d: {  	_ =	shalt  }
0x5e: {  	_ =	shalt  }
0x5f: {  	_ =	shalt  }
0x60: {  	_ =	shalt  }
0x61: {  	_ =	shalt  }
0x62: {  	_ =	shalt  }
0x63: {  	_ =	shalt  }
0x64: {  	_ =	shalt  }
0x65: {  	_ =	shalt  }
0x66: {  	_ =	shalt  }
0x67: {  	_ =	shalt  }
0x68: {  	_ =	shalt  }
0x69: {  	_ =	shalt  }
0x6a: {  	_ =	shalt  }
0x6b: {  	_ =	shalt  }
0x6c: {  	_ =	shalt  }
0x6d: {  	_ =	shalt  }
0x6e: {  	_ =	shalt  }
0x6f: {  	_ =	shalt  }
0x70: {  	_ =	shalt  }
0x71: {  	_ =	shalt  }
0x72: {  	_ =	shalt  }
0x73: {  	_ =	shalt  }
0x74: {  	_ =	shalt  }
0x75: {  	_ =	shalt  }
0x76: {  	_ =	shalt  }
0x77: {  	_ =	shalt  }
0x78: {  	_ =	shalt  }
0x79: {  	_ =	shalt  }
0x7a: {  	_ =	shalt  }
0x7b: {  	_ =	shalt  }
0x7c: {  	_ =	shalt  }
0x7d: {  	_ =	shalt  }
0x7e: {  	_ =	shalt  }
0x7f: {  	_ =	shalt  }
0x80: {  	_ =	shalt  }
0x81: {  	_ =	shalt  }
0x82: {  	_ =	shalt  }
0x83: {  	_ =	shalt  }
0x84: {  	_ =	shalt  }
0x85: {  	_ =	shalt  }
0x86: {  	_ =	shalt  }
0x87: {  	_ =	shalt  }
.Lfunc_end0:
.L_simem_size_0:
called_computation_lowered:
.L_overlay_start_0:
0x88: {  	s2 =	sld [smem:$0x3FD9]  }
0x89: {  	s3 =	sld [smem:$0x3FFE];
	_ =	sdelay $0x1  }
0x8a: {  	s1 =	srdreg.scid  }
0x8b: {  	s0 =	sand.u32 $0x1, s1  }
0x8c: {  	s18 =	sshll.u32 s0, $0xA;
	s2 =	sadd.s32 s3, s2  }
0x8d: {  	s2 =	sadd.s32 s2, s18  }
0x8e: {  	[smem:$0x3FC6] =	sst s2  }
0x8f: {  	_ = 	snop  }
0x90: {  	s2 =	sld [smem:$0x3FC9]  }
0x91: {  	s19 =	sld [smem:$0x3FC8]  }
0x92: {  	s4 =	sld [smem:$0x3FD0];
	(tm) =	ssettm $0x1  }
0x93: {  	s5 =	sld [smem:$0x3FFB];
	_ =	sdelay $0x3  }
0x94: {  	_ =	strace s5  }
0x95: {  	s5 =	sld [smem:$0x3FFC];
	_ =	sdelay $0x3  }
0x96: {  	_ =	strace s5  }
0x97: {  	s5 =	sld [smem:$0x3FFD];
	_ =	sdelay $0x3  }
0x98: {  	_ =	strace s5  }
0x99: {  	_ =	strace $0x8FFFFFFF  }
0x9a: {  	s20 =	sld [smem:$0x3FDB];
	_ =	sdelay $0x1  }
0x9b: {  	s6 =	simm.s32 $_scs_section_size  }
0x9c: {  	s7 =	simm.s32 $_size__tile_overlayer_lowered;
	s8 =	simm.s32 $_tile_overlayer_lowered  }
0x9d: {  	s23 =	simm.s32 $0x1BFF;
	s22 =	sshll.u32 s8, $0x1;
	s5 =	sadd.s32 s6, s20  }
0x9e: {  	s9 =	simm.s32 $0x0;
	s21 =	sshll.u32 s7, $0x1;
	s7 =	sadd.s32 s22, s5  }
0x9f: {  	[timem:s9], [sflag:s23] =	dma.local [hbm:s7], s21  }
0xa0: {  	_ =	swait.ge [sflag:s23], s21  }
0xa1: {  	s6 =	ssub.s32 $0x0, s21;
	[sflag:s23] =	ssyncset.done $0x0  }
0xa2: {  	[sflag:s23] =	ssyncadd.s32 s6;
	_ =	sdelay $0x1  }
0xa3: {  	s24 =	simm.s32 $0x1B8B  }
0xa4: {  	_ =	swait.ge [sflag:s24], $0x1  }
0xa5: {  	[sflag:s24] =	ssyncset.done $0x0  }
0xa6: {  	s25 =	simm.s32 $0x1B8E;
	[sflag:s24] =	ssyncadd.s32 $0xFFFFFFFF  }
0xa7: {  	s26 =	simm.s32 $execute0_lowered;
	[smem:$0x3FD2] =	sst s25  }
0xa8: {  	s6 =	sshll.u32 s26, $0x1;
	_ =	strace $0x80000046;
	[dreg:$0x1] =	wrdreg $0xFFFFFFFF  }
0xa9: {  	s28 =	simm.s32 $_size_execute0_lowered;
	s5 =	sadd.s32 s5, s6;
	[dreg:$0x0] =	wrdreg $0x0  }
0xaa: {  	s6 =	sshll.u32 s28, $0x1;
	[dreg:$0x2] =	wrdreg s5  }
0xab: {  	[dreg:$0x3] =	wrdreg s6  }
0xac: {  	[dreg:$0x4] =	wrdreg $0xC0  }
0xad: {  	_ =	task [dreg:s9], $0x5FFFF  }
0xae: {  	[dreg:$0x1] =	wrdreg $0xFFFFFFFF  }
0xaf: {  	[dreg:$0x0] =	wrdreg $0x60  }
0xb0: {  	[dreg:$0x2] =	wrdreg s2  }
0xb1: {  	[dreg:$0x3] =	wrdreg s19  }
0xb2: {  	[dreg:$0x4] =	wrdreg s4  }
0xb3: {  	[dreg:$0x5] =	wrdreg $0x9  }
0xb4: {  	_ =	task.clear_ibuf [dreg:s9], $0x6FFFF;
	_ =	strace $0x90000046  }
0xb5: {  	s29 =	simm.s32 $0x9;
	_ =	strace $0x80000048  }
0xb6: {  	_ =	swait.ge [sflag:s29], $0x1  }
0xb7: {  	[sflag:s29] =	ssyncadd.s32 $0xFFFFFFFF  }
0xb8: {  	_ =	strace $0x90000048  }
0xb9: {  	_ =	sfence  }
0xba: {  	s30 =	sld [smem:$0x0];
	_ =	sdelay $0x2  }
0xbb: {  	s31 =	sshll.u32 s1, $0xD;
	s1 =	sshrl.u32 s1, $0x2  }
0xbc: {  	s3 =	sand.u32 $0x4000, s31;
	s1 =	sadd.s32 s1, s30  }
0xbd: {  	s0 =	sor.u32 s3, s0;
	s1 =	sshll.u32 s1, $0x11  }
0xbe: {  	s0 =	sor.u32 s1, s0  }
0xbf: {  	s0 =	sadd.s32 $0x8F2B, s0  }
0xc0: {  	[sflag:s0] =	ssyncadd.remote.s32 $0x1  }
0xc1: {  	_ =	sfence.sel $0xFFFF  }
0xc2: {  	[dreg:$0x0] =	wrdreg $0xFFFFFFFF;
	(pc) =	sbr.abs _section_cstart, $3  }
0xc3: {  	[dreg:$0x1] =	wrdreg $0xFFFFFFFF  }
0xc4: {  	_ =	task.clear_ibuf [dreg:s9], $0x2FFFF;
	_ =	strace $0x9FFFFFFF  }
0xc5: {  	(tm) =	ssettm $0x7FFFFFFF  }
tec
execute0_lowered:
.L_overlay_start_1:
0x0: {  	(tag) =	ssettag $0x1  }
0x1: {  	s4 =	rddreg [dreg:$0x0]  }
0x2: {  	s5 =	rddreg [dreg:$0x1]  }
0x3: {  	s1 =	rddreg [dreg:$0x2];
	s2 =	srdreg.scid  }
0x4: {  	s0 =	rddreg [dreg:$0x3];
	s3 =	simm.s32 $0x0;
	s11 =	simm.s32 $0x80  }
0x5: {  	s12 =	simm.s32 $0x400;
	s13 =	simm.s32 $0x10000;
	s14 =	simm.s32 $0x4  }
0x6: {  	s15 =	simm.s32 $0x18000;
	s16 =	simm.s32 $0x1A000;
	s17 =	simm.s32 $0x1  }
0x7: {  	s18 =	simm.s32 $0x2;
	s19 =	simm.s32 $0x0;
	s6 =	sand.u32 $0x1, s2  }
0x8: {  	[smem:$0x7FF] =	sst s3;
	s2 =	stileid.u32;
	s7 =	ssub.s32 $0x2, s6  }
0x9: {  	_ =	strace $0x80000047;
	s9 =	sshll.u32 s2, $0x1;
	s8 =	sshrl.u32 s7, $0x1  }
0xa: {  	s29 =	sshll.u32 s2, $0xD;
	s6 =	sor.u32 s6, s9;
	s10 =	ssub.s32 s7, s8  }
0xb: {  	s30 =	sshll.u32 s6, $0x11;
	s7 =	sand.u32 $0x18000, s29;
	s9 =	sshll.u32 s6, $0x4  }
0xc: {  	s6 =	sshll.u32 s6, $0x10;
	s8 =	sadd.s32 $0x4000, s1;
	s4 =	sadd.s32 s4, s30  }
0xd: {  	s31 =	sand.u32 $0x70, s9;
	s5 =	sadd.s32 s5, s7;
	s7 =	sadd.s32 $0x2000, s1  }
0xe: {  	s9 =	sadd.s32 $0x6000, s1;
	s10 =	smax.u32 s10, $0x1;
	s5 =	sadd.s32 s31, s5  }
.LBB2_1:
0xf: {  	[tilespmem:s3], [sflag:$0x3] =	stream.strided.gather [hbm4b:s4+s11], $0x10000, s12, s11, $0x38;
	[tilespmem:$0x1C000] =	vst v63  }
0x10: {  	_ = 	snop  }
0x11: {  	[tilespmem:s13], [sflag:$0x4] =	stream.strided.gather [hbm4b:s5+s11], $0x8000, s12, s11, $0x38;
	[tilespmem:$0x1C000] =	vst v63  }
0x12: {  	_ =	swait.ge [sflag:s14], $0x8000  }
0x13: {  	[sflag:s14] =	ssyncset.done $0x0  }
0x14: {  	s21 =	simm.s32 $0x10080;
	[sflag:s14] =	ssyncadd.s32 $0xFFFF8000  }
0x15: {  	v0 =	vld [tilespmem:s21+$0x70]  }
0x16: {  	v1 =	vld [tilespmem:s21+$0xFFFFFF90]  }
0x17: {  	v2 =	vld [tilespmem:s21+$0xFFFFFFA0]  }
0x18: {  	v3 =	vld [tilespmem:s21+$0xFFFFFFB0]  }
0x19: {  	v4 =	vld [tilespmem:s21+$0xFFFFFFC0]  }
0x1a: {  	v5 =	vld [tilespmem:s21+$0xFFFFFFD0];
	v0 =	vmul.f32 $6.553500000e+04, v0  }
0x1b: {  	v6 =	vld [tilespmem:s21+$0xFFFFFFE0];
	v1 =	vmul.f32 $6.553500000e+04, v1  }
0x1c: {  	v7 =	vld [tilespmem:s21+$0xFFFFFFF0];
	v2 =	vmul.f32 $6.553500000e+04, v2;
	[tilespmem:s21+$0x70] =	vst v0  }
0x1d: {  	[tilespmem:s21+$0xFFFFFF90] =	vst v1;
	v0 =	vmul.f32 $6.553500000e+04, v3;
	v3 =	vld [tilespmem:s21+$0x0]  }
0x1e: {  	[tilespmem:s21+$0xFFFFFFA0] =	vst v2;
	v1 =	vmul.f32 $6.553500000e+04, v4;
	v4 =	vld [tilespmem:s21+$0x10]  }
0x1f: {  	v8 =	vld [tilespmem:s21+$0x20];
	v2 =	vmul.f32 $6.553500000e+04, v5;
	[tilespmem:s21+$0xFFFFFFB0] =	vst v0  }
0x20: {  	v5 =	vmul.f32 $6.553500000e+04, v6;
	[tilespmem:s21+$0xFFFFFFC0] =	vst v1;
	v0 =	vld [tilespmem:s21+$0x30]  }
0x21: {  	v6 =	vmul.f32 $6.553500000e+04, v7;
	[tilespmem:s21+$0xFFFFFFD0] =	vst v2;
	v1 =	vld [tilespmem:s21+$0x40]  }
0x22: {  	[tilespmem:s21+$0xFFFFFFE0] =	vst v5;
	v2 =	vld [tilespmem:s21+$0x50];
	v7 =	vmul.f32 $6.553500000e+04, v3  }
0x23: {  	[tilespmem:s21+$0xFFFFFFF0] =	vst v6;
	v3 =	vld [tilespmem:s21+$0x60];
	v5 =	vmul.f32 $6.553500000e+04, v4  }
0x24: {  	s22 =	simm.s32 $0x0;
	s23 =	simm.s32 $0x10180;
	v6 =	vmul.f32 $6.553500000e+04, v8;
	v4 =	vld [tilespmem:s21+$0xFFFFFF80];
	[tilespmem:s21+$0x0] =	vst v7  }
.LBB2_2:
0x25: {  	v7 =	vld [tilespmem:s23+$0x70];
	s22 =	sadd.s32 $0x10, s22;
	[tilespmem:s21+$0x10] =	vst v5;
	v0 =	vmul.f32 $6.553500000e+04, v0  }
0x26: {  	v5 =	vld [tilespmem:s23+$0xFFFFFF90];
	p0 =	slt.u32 s22, $0x7F0;
	[tilespmem:s21+$0x20] =	vst v6;
	v1 =	vmul.f32 $6.553500000e+04, v1  }
0x27: {  	v6 =	vld [tilespmem:s23+$0xFFFFFFA0];
	[tilespmem:s21+$0x30] =	vst v0;
	v0 =	vmul.f32 $6.553500000e+04, v2  }
0x28: {  	v2 =	vld [tilespmem:s23+$0xFFFFFFB0];
	[tilespmem:s21+$0x40] =	vst v1;
	v1 =	vmul.f32 $6.553500000e+04, v3  }
0x29: {  	v3 =	vld [tilespmem:s23+$0xFFFFFFC0];
	v4 =	vmul.f32 $6.553500000e+04, v4;
	[tilespmem:s21+$0x50] =	vst v0  }
0x2a: {  	v0 =	vld [tilespmem:s23+$0xFFFFFFD0];
	v7 =	vmul.f32 $6.553500000e+04, v7;
	[tilespmem:s21+$0x60] =	vst v1  }
0x2b: {  	v1 =	vmul.f32 $6.553500000e+04, v5;
	v5 =	vld [tilespmem:s23+$0xFFFFFFE0];
	[tilespmem:s21+$0xFFFFFF80] =	vst v4;
	s21 =	smov.u32 s23  }
0x2c: {  	s20 =	simm.s32 $0x0;
	v4 =	vmul.f32 $6.553500000e+04, v6;
	v6 =	vld [tilespmem:s23+$0xFFFFFFF0];
	[tilespmem:s23+$0x70] =	vst v7  }
0x2d: {  	[tilespmem:s23+$0xFFFFFF90] =	vst v1;
	v1 =	vmul.f32 $6.553500000e+04, v2;
	v2 =	vld [tilespmem:s23+$0x0]  }
0x2e: {  	[tilespmem:s23+$0xFFFFFFA0] =	vst v4;
	v3 =	vmul.f32 $6.553500000e+04, v3;
	v4 =	vld [tilespmem:s23+$0x10]  }
0x2f: {  	[tilespmem:s23+$0xFFFFFFB0] =	vst v1;
	v1 =	vmul.f32 $6.553500000e+04, v0;
	v7 =	vld [tilespmem:s23+$0x20]  }
.Ltmp0:
0x30: {  	[tilespmem:s23+$0xFFFFFFC0] =	vst v3;
	v3 =	vmul.f32 $6.553500000e+04, v5;
	v0 =	vld [tilespmem:s23+$0x30];
	(pc) =	sbr.rel @p0 .LBB2_2-.Ltmp0, $4  }
0x31: {  	[tilespmem:s23+$0xFFFFFFD0] =	vst v1;
	v5 =	vmul.f32 $6.553500000e+04, v6;
	v1 =	vld [tilespmem:s23+$0x40]  }
0x32: {  	[tilespmem:s23+$0xFFFFFFE0] =	vst v3;
	v6 =	vmul.f32 $6.553500000e+04, v2;
	v2 =	vld [tilespmem:s23+$0x50]  }
0x33: {  	[tilespmem:s23+$0xFFFFFFF0] =	vst v5;
	v5 =	vmul.f32 $6.553500000e+04, v4;
	v3 =	vld [tilespmem:s23+$0x60]  }
0x34: {  	s23 =	sadd.s32 $0x100, s23;
	v4 =	vld [tilespmem:s21+$0xFFFFFF80];
	[tilespmem:s21+$0x0] =	vst v6;
	v6 =	vmul.f32 $6.553500000e+04, v7  }
0x35: {  	[tilespmem:s21+$0x10] =	vst v5;
	v0 =	vmul.f32 $6.553500000e+04, v0  }
0x36: {  	[tilespmem:s21+$0x20] =	vst v6;
	v1 =	vmul.f32 $6.553500000e+04, v1  }
0x37: {  	[tilespmem:s21+$0x30] =	vst v0;
	v61 =	vmul.f32 $6.553500000e+04, v2  }
0x38: {  	[tilespmem:s21+$0x40] =	vst v1;
	v62 =	vmul.f32 $6.553500000e+04, v3  }
0x39: {  	v63 =	vmul.f32 $6.553500000e+04, v4;
	[tilespmem:s21+$0x50] =	vst v61  }
0x3a: {  	[tilespmem:s21+$0x60] =	vst v62  }
0x3b: {  	[tilespmem:s21+$0xFFFFFF80] =	vst v63  }
.LBB2_4:
0x3c: {  	p0 =	sne.s32 s20, $0x0  }
0x3d: {  	s21 =	sshll.u32 @p0 s20, $0xD;
	s22 =	sshll.u32 @p0 s20, $0x4  }
0x3e: {  	s21 =	sand.u32 @p0 $0x10000, s21;
	s22 =	sand.u32 @p0 $0x70, s22  }
0x3f: {  	s23 =	simm.s32 @p0 $0x400;
	s21 =	sor.u32 @p0 s22, s21  }
0x40: {  	s24 =	simm.s32 @p0 $0x0;
	s22 =	simm.s32 @p0 $0x80;
	s21 =	sadd.s32 @p0 s21, s4  }
0x41: {  	[tilespmem:s24], [sflag:$0x4] =	stream.strided.gather @p0 [hbm4b:s21+s22], $0x10000, s23, s22, $0x38;
	[tilespmem:$0x1C000] =	vst v63  }
0x42: {  	s21 =	simm.s32 @p0 $0x4  }
0x43: {  	_ =	swait.ge @p0 [sflag:s21], $0x10000  }
0x44: {  	[sflag:s21] =	ssyncset.done @p0 $0x0  }
0x45: {  	[sflag:s21] =	ssyncadd.s32 @p0 $0xFFFF0000;
	s21 =	simm.s32 @p0 $0x1  }
0x46: {  	_ =	swait.ge @p0 [sflag:s21], $0x2000  }
0x47: {  	[sflag:s21] =	ssyncset.done @p0 $0x0  }
0x48: {  	[sflag:s21] =	ssyncadd.s32 @p0 $0xFFFFE000;
	s21 =	simm.s32 @!p0 $0x3  }
0x49: {  	_ =	swait.ge @!p0 [sflag:s21], $0x10000  }
0x4a: {  	[sflag:s21] =	ssyncset.done @!p0 $0x0  }
0x4b: {  	s31 =	simm.s32 $0x10080;
	[sflag:s21] =	ssyncadd.s32 @!p0 $0xFFFF0000  }
0x4c: {  	v0 =	vld [tilespmem:s31+$0x70]  }
0x4d: {  	v1 =	vld [tilespmem:s31+$0xFFFFFF90]  }
0x4e: {  	v2 =	vld [tilespmem:s31+$0xFFFFFFA0]  }
0x4f: {  	v3 =	vld [tilespmem:s31+$0xFFFFFFB0]  }
0x50: {  	v4 =	vld [tilespmem:s31+$0xFFFFFFC0]  }
0x51: {  	v11 =	vld [tilespmem:s31+$0xFFFFFFD0]  }
0x52: {  	v12 =	vld [tilespmem:s31+$0xFFFFFFE0]  }
0x53: {  	v13 =	vld [tilespmem:s31+$0xFFFFFFF0]  }
0x54: {  	v14 =	vld [tilespmem:s31+$0x0]  }
0x55: {  	v15 =	vld [tilespmem:s31+$0x10];
	v5 =	vtrunc.f32 v0  }
0x56: {  	v16 =	vld [tilespmem:s31+$0x20];
	v7 =	vtrunc.f32 v1;
	v5 =	vcvt.f32.s32 v5  }
0x57: {  	v19 =	vld [tilespmem:s31+$0x30];
	v17 =	vcvt.f32.s32 v7;
	v7 =	vtrunc.f32 v2  }
0x58: {  	v23 =	vld [tilespmem:s31+$0x40];
	v18 =	vcvt.f32.s32 v7;
	v7 =	vtrunc.f32 v3  }
0x59: {  	v26 =	vld [tilespmem:s31+$0x50];
	v6 =	vadd.s32 $0x1, v5;
	v20 =	vcvt.f32.s32 v7  }
0x5a: {  	v28 =	vld [tilespmem:s31+$0x60];
	v8 =	vadd.s32 $0x1, v17;
	v7 =	vtrunc.f32 v4;
	v61 =	vcvt.s32.f32 v17  }
0x5b: {  	v31 =	vld [tilespmem:s31+$0xFFFFFF80];
	v10 =	vadd.s32 $0x1, v18;
	v22 =	vcvt.f32.s32 v7;
	v7 =	vtrunc.f32 v11  }
0x5c: {  	v24 =	vcvt.f32.s32 v7;
	v7 =	vtrunc.f32 v12;
	v9 =	vld.idx.msk [tilespmem:v5+s3+$0x0], $0xffff  }
0x5d: {  	v21 =	vadd.s32 $0x1, v20;
	v27 =	vcvt.f32.s32 v7;
	v7 =	vtrunc.f32 v13;
	v17 =	vld.idx.msk [tilespmem:v17+s3+$0x0], $0xffff  }
0x5e: {  	v25 =	vadd.s32 $0x1, v22;
	v30 =	vcvt.f32.s32 v7;
	v7 =	vtrunc.f32 v14;
	v6 =	vld.idx.msk [tilespmem:v6+s3+$0x0], $0xffff  }
0x5f: {  	v29 =	vadd.s32 $0x1, v24;
	v33 =	vcvt.f32.s32 v7;
	v7 =	vtrunc.f32 v15;
	v34 =	vld.idx.msk [tilespmem:v8+s3+$0x0], $0xffff  }
0x60: {  	v8 =	vadd.s32 $0x1, v30;
	v35 =	vcvt.f32.s32 v7;
	v7 =	vtrunc.f32 v16;
	v36 =	vld.idx.msk [tilespmem:v10+s3+$0x0], $0xffff  }
0x61: {  	v55 =	vld.idx.msk [tilespmem:v20+s3+$0x0], $0xffff;
	v10 =	vadd.s32 $0x1, v33;
	v37 =	vcvt.f32.s32 v7;
	v7 =	vtrunc.f32 v19  }
0x62: {  	v38 =	vld.idx.msk [tilespmem:v21+s3+$0x0], $0xffff;
	v21 =	vadd.s32 $0x1, v35;
	v39 =	vcvt.f32.s32 v7;
	v7 =	vtrunc.f32 v23  }
0x63: {  	v40 =	vld.idx.msk [tilespmem:v25+s3+$0x0], $0xffff;
	v25 =	vadd.s32 $0x1, v37;
	v41 =	vcvt.f32.s32 v7;
	v7 =	vtrunc.f32 v31  }
0x64: {  	v43 =	vtrunc.f32 v26;
	v29 =	vld.idx.msk [tilespmem:v29+s3+$0x0], $0xffff;
	v42 =	vadd.s32 $0x1, v39;
	v44 =	vcvt.f32.s32 v7  }
0x65: {  	v43 =	vcvt.f32.s32 v43;
	v46 =	vld.idx.msk [tilespmem:v8+s3+$0x0], $0xffff  }
0x66: {  	v63 =	vcvt.s32.f32 v22;
	v7 =	vtrunc.f32 v28;
	v8 =	vadd.s32 $0x1, v44;
	v56 =	vld.idx.msk [tilespmem:v10+s3+$0x0], $0xffff  }
0x67: {  	v49 =	vadd.s32 $0x1, v43;
	v5 =	vcvt.s32.f32 v5;
	v47 =	vcvt.f32.s32 v7;
	v10 =	vld.idx.msk [tilespmem:v21+s3+$0x0], $0xffff  }
0x68: {  	v32 =	vadd.s32 $0x1, v27;
	v4 =	vsub.f32 v4, v63;
	v7 =	vld.idx.msk [tilespmem:v25+s3+$0x0], $0xffff  }
0x69: {  	v0 =	vsub.f32 v0, v5;
	v51 =	vcvt.s32.f32 v33;
	v21 =	vadd.s32 $0x1, v47;
	v50 =	vld.idx.msk [tilespmem:v42+s3+$0x0], $0xffff  }
0x6a: {  	v52 =	vcvt.s32.f32 v37;
	v25 =	vsub.f32 v6, v9;
	v6 =	vcvt.s32.f32 v44;
	v44 =	vld.idx.msk [tilespmem:v44+s3+$0x0], $0xffff  }
0x6b: {  	v45 =	vadd.s32 $0x1, v41;
	v42 =	vsub.f32 v1, v61;
	v1 =	vcvt.s32.f32 v20;
	v62 =	vld.idx.msk [tilespmem:v8+s3+$0x0], $0xffff  }
0x6c: {  	v0 =	vmul.f32 v25, v0;
	v25 =	vcvt.s32.f32 v18;
	v31 =	vsub.f32 v31, v6;
	v8 =	vld.idx.msk [tilespmem:v49+s3+$0x0], $0xffff  }
0x6d: {  	v6 =	vcvt.s32.f32 v30;
	v3 =	vsub.f32 v3, v1;
	v1 =	vcvt.s32.f32 v35;
	v49 =	vld.idx.msk [tilespmem:v18+s3+$0x0], $0xffff  }
0x6e: {  	v18 =	vsub.f32 v14, v51;
	v0 =	vadd.f32 v0, v9;
	v9 =	vld.idx.msk [tilespmem:v21+s3+$0x0], $0xffff;
	v21 =	vcvt.s32.f32 v24  }
0x6f: {  	v32 =	vld.idx.msk [tilespmem:v32+s3+$0x0], $0xffff;
	v14 =	vsub.f32 v16, v52;
	v2 =	vsub.f32 v2, v25;
	v25 =	vcvt.s32.f32 v27  }
0x70: {  	v20 =	vld.idx.msk [tilespmem:v27+s3+$0x0], $0xffff;
	v15 =	vsub.f32 v15, v1;
	v53 =	vsub.f32 v11, v21;
	v11 =	vcvt.s32.f32 v39  }
0x71: {  	v54 =	vsub.f32 v12, v25;
	v21 =	vsub.f32 v13, v6;
	v6 =	vld.idx.msk [tilespmem:v22+s3+$0x0], $0xffff;
	v12 =	vcvt.s32.f32 v41  }
0x72: {  	v48 =	vld.idx.msk [tilespmem:v41+s3+$0x0], $0xffff;
	v1 =	vcvt.s32.f32 v43;
	v13 =	vsub.f32 v19, v11;
	v11 =	vsub.f32 v62, v44  }
0x73: {  	v16 =	vcvt.s32.f32 v47;
	v25 =	vld.idx.msk [tilespmem:v24+s3+$0x0], $0xffff;
	v12 =	vsub.f32 v23, v12;
	v23 =	vsub.f32 v34, v17  }
0x74: {  	v22 =	vld.idx.msk [tilespmem:v30+s3+$0x0], $0xffff;
	v57 =	vsub.f32 v26, v1;
	v26 =	vsub.f32 v36, v49  }
0x75: {  	v60 =	vsub.f32 v28, v16;
	v19 =	vld.idx.msk [tilespmem:v33+s3+$0x0], $0xffff;
	v24 =	vmul.f32 v11, v31;
	v27 =	vmul.f32 v23, v42  }
0x76: {  	v5 =	vld.idx.msk [tilespmem:v45+s3+$0x0], $0xffff;
	v28 =	vsub.f32 v38, v55;
	v2 =	vmul.f32 v26, v2;
	v26 =	vsub.f32 v40, v6  }
0x77: {  	v16 =	vld.idx.msk [tilespmem:v37+s3+$0x0], $0xffff;
	v23 =	vadd.f32 v24, v44;
	v24 =	vadd.f32 v27, v17  }
0x78: {  	v3 =	vmul.f32 v28, v3;
	v11 =	vld.idx.msk [tilespmem:v35+s3+$0x0], $0xffff;
	v27 =	vsub.f32 v29, v25;
	v28 =	vadd.f32 v2, v49  }
0x79: {  	s21 =	simm.s32 $0x18080;
	v17 =	vld.idx.msk [tilespmem:v39+s3+$0x0], $0xffff;
	v29 =	vsub.f32 v32, v20;
	v32 =	vsub.f32 v46, v22;
	v4 =	vmul.f32 v26, v4  }
0x7a: {  	[tilespmem:s21+$0x70] =	vst v0;
	v26 =	vadd.f32 v3, v55;
	v3 =	vld.idx.msk [tilespmem:v43+s3+$0x0], $0xffff;
	v30 =	vsub.f32 v56, v19  }
0x7b: {  	s23 =	simm.s32 $0x0;
	s24 =	simm.s32 $0x10180;
	s22 =	simm.s32 $0x18080;
	v31 =	vmul.f32 v27, v53;
	v29 =	vmul.f32 v29, v54;
	v27 =	vadd.f32 v4, v6;
	v4 =	vld.idx.msk [tilespmem:v47+s3+$0x0], $0xffff  }
.LBB2_5:
0x7c: {  	v33 =	vld [tilespmem:s24+$0x70]  }
0x7d: {  	[tilespmem:s21+$0xFFFFFF80] =	vst v23;
	v23 =	vadd.f32 v31, v25;
	v25 =	vld [tilespmem:s24+$0xFFFFFF90];
	v18 =	vmul.f32 v30, v18  }
0x7e: {  	v20 =	vadd.f32 v29, v20;
	v29 =	vld [tilespmem:s24+$0x10]  }
0x7f: {  	v21 =	vmul.f32 v32, v21;
	v30 =	vld [tilespmem:s24+$0x20];
	v18 =	vadd.f32 v18, v19;
	v10 =	vsub.f32 v10, v11  }
0x80: {  	[tilespmem:s21+$0xFFFFFF90] =	vst v24;
	v31 =	vld [tilespmem:s24+$0x30];
	v24 =	vsub.f32 v7, v16;
	v19 =	vsub.f32 v5, v48  }
0x81: {  	v6 =	vld [tilespmem:s24+$0xFFFFFFB0];
	v21 =	vadd.f32 v21, v22;
	v22 =	vtrunc.f32 v33;
	v10 =	vmul.f32 v10, v15  }
0x82: {  	v7 =	vld [tilespmem:s24+$0xFFFFFFA0];
	v14 =	vmul.f32 v24, v14;
	v0 =	vmul.f32 v19, v12  }
0x83: {  	[tilespmem:s21+$0xFFFFFFB0] =	vst v26;
	v5 =	vld [tilespmem:s24+$0xFFFFFFC0];
	v15 =	vsub.f32 v50, v17;
	v19 =	vtrunc.f32 v25;
	v26 =	vcvt.f32.s32 v22  }
0x84: {  	[tilespmem:s21+$0xFFFFFFC0] =	vst v27;
	v27 =	vld [tilespmem:s24+$0xFFFFFFF0];
	v12 =	vsub.f32 v9, v4;
	v37 =	vtrunc.f32 v29;
	v40 =	vtrunc.f32 v30  }
0x85: {  	[tilespmem:s21+$0xFFFFFFA0] =	vst v28;
	v28 =	vld [tilespmem:s24+$0x0];
	v43 =	vtrunc.f32 v31;
	v37 =	vcvt.f32.s32 v37;
	v10 =	vadd.f32 v10, v11  }
0x86: {  	v38 =	vld [tilespmem:s24+$0x40];
	v15 =	vmul.f32 v15, v13;
	v13 =	vsub.f32 v8, v3;
	v14 =	vadd.f32 v14, v16  }
0x87: {  	v41 =	vld [tilespmem:s24+$0x50];
	[tilespmem:s21+$0xFFFFFFF0] =	vst v21;
	v16 =	vcvt.f32.s32 v19;
	v21 =	vadd.s32 $0x1, v26;
	v19 =	vtrunc.f32 v7  }
0x88: {  	v9 =	vld [tilespmem:s24+$0xFFFFFFE0];
	[tilespmem:s21+$0xFFFFFFE0] =	vst v20;
	v20 =	vtrunc.f32 v5;
	v15 =	vadd.f32 v15, v17;
	v17 =	vcvt.f32.s32 v19  }
0x89: {  	[tilespmem:s21+$0x0] =	vst v18;
	v8 =	vld [tilespmem:s24+$0xFFFFFFD0];
	v24 =	vtrunc.f32 v27;
	v18 =	vadd.s32 $0x1, v16;
	v20 =	vcvt.f32.s32 v20  }
0x8a: {  	v44 =	vld [tilespmem:s24+$0x60];
	v35 =	vtrunc.f32 v28;
	[tilespmem:s21+$0x10] =	vst v10;
	v24 =	vcvt.f32.s32 v24;
	v10 =	vadd.s32 $0x1, v17  }
0x8b: {  	v45 =	vld [tilespmem:s24+$0xFFFFFF80];
	v40 =	vcvt.f32.s32 v40;
	v35 =	vcvt.f32.s32 v35;
	[tilespmem:s21+$0x30] =	vst v15;
	v15 =	vadd.s32 $0x1, v20  }
0x8c: {  	v19 =	vtrunc.f32 v6;
	v47 =	vcvt.s32.f32 v16;
	v63 =	vld.idx.msk [tilespmem:v26+s3+$0x0], $0xffff;
	v39 =	vadd.s32 $0x1, v24  }
0x8d: {  	[tilespmem:s21+$0xFFFFFFD0] =	vst v23;
	v19 =	vcvt.f32.s32 v19;
	v23 =	vtrunc.f32 v9;
	v42 =	vadd.s32 $0x1, v35;
	v21 =	vld.idx.msk [tilespmem:v21+s3+$0x0], $0xffff  }
0x8e: {  	[tilespmem:$0x1FFE0] =	vst v0;
	v49 =	vadd.s32 $0x1, v40;
	v23 =	vcvt.f32.s32 v23;
	v22 =	vtrunc.f32 v8;
	v11 =	vld.idx.msk [tilespmem:v18+s3+$0x0], $0xffff  }
0x8f: {  	[tilespmem:s21+$0x20] =	vst v14;
	v26 =	vcvt.s32.f32 v26;
	v14 =	vadd.s32 $0x1, v19;
	v22 =	vcvt.f32.s32 v22;
	v0 =	vld.idx.msk [tilespmem:v10+s3+$0x0], $0xffff  }
0x90: {  	v47 =	vsub.f32 v25, v47;
	v25 =	vtrunc.f32 v45;
	v36 =	vadd.s32 $0x1, v23;
	v52 =	vld.idx.msk [tilespmem:v15+s3+$0x0], $0xffff  }
0x91: {  	v25 =	vcvt.f32.s32 v25;
	v18 =	vcvt.s32.f32 v17;
	v34 =	vadd.s32 $0x1, v22;
	v32 =	vld.idx.msk [tilespmem:v39+s3+$0x0], $0xffff  }
0x92: {  	v43 =	vcvt.f32.s32 v43;
	v26 =	vsub.f32 v33, v26;
	v15 =	vtrunc.f32 v44;
	v42 =	vld.idx.msk [tilespmem:v42+s3+$0x0], $0xffff  }
0x93: {  	v58 =	vsub.f32 v7, v18;
	v7 =	vld.idx.msk [tilespmem:v49+s3+$0x0], $0xffff;
	v54 =	vcvt.f32.s32 v15;
	v15 =	vcvt.s32.f32 v19  }
0x94: {  	v10 =	vtrunc.f32 v38;
	v21 =	vsub.f32 v21, v63;
	v33 =	vld.idx.msk [tilespmem:v14+s3+$0x0], $0xffff;
	v14 =	vadd.s32 $0x1, v43  }
0x95: {  	v51 =	vcvt.f32.s32 v10;
	v36 =	vld.idx.msk [tilespmem:v36+s3+$0x0], $0xffff;
	v49 =	vsub.f32 v6, v15;
	v15 =	vcvt.s32.f32 v37  }
0x96: {  	v46 =	vadd.s32 $0x1, v37;
	v21 =	vmul.f32 v21, v26;
	v26 =	vld.idx.msk [tilespmem:v34+s3+$0x0], $0xffff  }
0x97: {  	v34 =	vadd.s32 $0x1, v51;
	v15 =	vsub.f32 v29, v15;
	v29 =	vld.idx.msk [tilespmem:v25+s3+$0x0], $0xffff  }
0x98: {  	v55 =	vcvt.s32.f32 v25;
	v56 =	vadd.s32 $0x1, v25;
	v10 =	vtrunc.f32 v41;
	v25 =	vld.idx.msk [tilespmem:v22+s3+$0x0], $0xffff  }
0x99: {  	v18 =	vcvt.s32.f32 v22;
	v53 =	vcvt.f32.s32 v10;
	v10 =	vadd.f32 v21, v63;
	v22 =	vld.idx.msk [tilespmem:v24+s3+$0x0], $0xffff  }
0x9a: {  	s21 =	sadd.s32 $0x100, s21;
	v59 =	vcvt.s32.f32 v23;
	v45 =	vsub.f32 v45, v55;
	v21 =	vcvt.s32.f32 v20;
	v50 =	vld.idx.msk [tilespmem:v14+s3+$0x0], $0xffff  }
0x9b: {  	v55 =	vcvt.s32.f32 v35;
	v2 =	vadd.s32 $0x1, v54;
	[tilespmem:s21+$0x70] =	vst v10;
	v10 =	vld.idx.msk [tilespmem:v46+s3+$0x0], $0xffff;
	v46 =	vcvt.s32.f32 v24  }
0x9c: {  	v6 =	vcvt.s32.f32 v40;
	v1 =	vcvt.s32.f32 v54;
	v61 =	vsub.f32 v5, v21;
	v5 =	vld.idx.msk [tilespmem:v34+s3+$0x0], $0xffff  }
0x9d: {  	v34 =	vld.idx.msk [tilespmem:v56+s3+$0x0], $0xffff;
	v56 =	vsub.f32 v8, v18;
	v21 =	vsub.f32 v27, v46;
	v27 =	vmul.f32 v13, v57  }
0x9e: {  	v18 =	vsub.f32 v28, v55;
	v28 =	vmul.f32 v12, v60;
	v60 =	vsub.f32 v44, v1;
	v1 =	vld [tilespmem:$0x1FFE0]  }
0x9f: {  	v59 =	vsub.f32 v9, v59;
	[tilespmem:$0x1FFF0] =	vst v0;
	v0 =	vcvt.s32.f32 v53;
	v14 =	vsub.f32 v30, v6;
	v30 =	vld.idx.msk [tilespmem:v16+s3+$0x0], $0xffff  }
0xa0: {  	v39 =	vadd.s32 $0x1, v53;
	v9 =	vld.idx.msk [tilespmem:v2+s3+$0x0], $0xffff;
	v2 =	vadd.f32 v27, v3;
	v3 =	vadd.f32 v28, v4  }
0xa1: {  	v62 =	vcvt.s32.f32 v43;
	v57 =	vsub.f32 v41, v0;
	v0 =	vld.idx.msk [tilespmem:v17+s3+$0x0], $0xffff  }
0xa2: {  	[tilespmem:s22+$0x60] =	vst v3;
	v3 =	vld [tilespmem:$0x1FFF0]  }
0xa3: {  	v13 =	vsub.f32 v31, v62;
	v31 =	vld.idx.msk [tilespmem:v19+s3+$0x0], $0xffff;
	v1 =	vadd.f32 v1, v48  }
0xa4: {  	v4 =	vld.idx.msk [tilespmem:v20+s3+$0x0], $0xffff  }
0xa5: {  	v63 =	vcvt.s32.f32 v51;
	v8 =	vld.idx.msk [tilespmem:v39+s3+$0x0], $0xffff;
	[tilespmem:s22+$0x40] =	vst v1;
	v1 =	vsub.f32 v34, v29  }
0xa6: {  	v20 =	vld.idx.msk [tilespmem:v23+s3+$0x0], $0xffff;
	[tilespmem:s22+$0x50] =	vst v2;
	v2 =	vsub.f32 v11, v30  }
0xa7: {  	s23 =	sadd.s32 $0x10, s23;
	v12 =	vsub.f32 v38, v63;
	v19 =	vld.idx.msk [tilespmem:v35+s3+$0x0], $0xffff;
	v1 =	vmul.f32 v1, v45;
	v3 =	vsub.f32 v3, v0  }
0xa8: {  	p0 =	slt.u32 s23, $0x1F0;
	v16 =	vld.idx.msk [tilespmem:v40+s3+$0x0], $0xffff;
	v32 =	vsub.f32 v32, v22;
	v17 =	vsub.f32 v33, v31;
	v2 =	vmul.f32 v2, v47  }
.Ltmp1:
0xa9: {  	v11 =	vld.idx.msk [tilespmem:v37+s3+$0x0], $0xffff;
	v23 =	vadd.f32 v1, v29;
	v1 =	vmul.f32 v3, v58;
	v3 =	vsub.f32 v52, v4;
	(pc) =	sbr.rel @p0 .LBB2_5-.Ltmp1, $4  }
0xaa: {  	v27 =	vmul.f32 v17, v49;
	v17 =	vld.idx.msk [tilespmem:v43+s3+$0x0], $0xffff;
	v24 =	vadd.f32 v2, v30;
	v29 =	vsub.f32 v26, v25  }
0xab: {  	v48 =	vld.idx.msk [tilespmem:v51+s3+$0x0], $0xffff;
	v28 =	vadd.f32 v1, v0;
	v0 =	vmul.f32 v3, v61;
	v1 =	vsub.f32 v36, v20  }
0xac: {  	v30 =	vsub.f32 v42, v19;
	v26 =	vadd.f32 v27, v31;
	v3 =	vld.idx.msk [tilespmem:v53+s3+$0x0], $0xffff  }
0xad: {  	s24 =	sadd.s32 $0x100, s24;
	s22 =	smov.u32 s21;
	v31 =	vmul.f32 v29, v56;
	v27 =	vadd.f32 v0, v4;
	v29 =	vmul.f32 v1, v59;
	v4 =	vld.idx.msk [tilespmem:v54+s3+$0x0], $0xffff  }
0xae: {  	[tilespmem:s21+$0xFFFFFF80] =	vst v23  }
0xaf: {  	[tilespmem:s21+$0xFFFFFF90] =	vst v24  }
0xb0: {  	[tilespmem:s21+$0xFFFFFFA0] =	vst v28  }
0xb1: {  	v1 =	vmul.f32 v32, v21;
	v10 =	vsub.f32 v10, v11;
	[tilespmem:s21+$0xFFFFFFB0] =	vst v26;
	v0 =	vadd.f32 v31, v25  }
0xb2: {  	v18 =	vmul.f32 v30, v18;
	v7 =	vsub.f32 v7, v16;
	v20 =	vadd.f32 v29, v20;
	[tilespmem:s21+$0xFFFFFFC0] =	vst v27  }
0xb3: {  	v6 =	vsub.f32 v50, v17;
	v1 =	vadd.f32 v1, v22;
	v10 =	vmul.f32 v10, v15;
	[tilespmem:s21+$0xFFFFFFD0] =	vst v0  }
0xb4: {  	v7 =	vmul.f32 v7, v14;
	v5 =	vsub.f32 v5, v48;
	v0 =	vadd.f32 v18, v19;
	[tilespmem:s21+$0xFFFFFFE0] =	vst v20  }
0xb5: {  	v6 =	vmul.f32 v6, v13;
	v8 =	vsub.f32 v8, v3;
	v10 =	vadd.f32 v10, v11;
	[tilespmem:s21+$0xFFFFFFF0] =	vst v1  }
0xb6: {  	v1 =	vmul.f32 v5, v12;
	v5 =	vsub.f32 v9, v4;
	v7 =	vadd.f32 v7, v16;
	[tilespmem:s21+$0x0] =	vst v0  }
0xb7: {  	v0 =	vadd.f32 v6, v17;
	v6 =	vmul.f32 v8, v57;
	[tilespmem:s21+$0x10] =	vst v10  }
0xb8: {  	s23 =	sshll.u32 s20, $0xC;
	[tilespmem:s21+$0x20] =	vst v7;
	v5 =	vmul.f32 v5, v60;
	v1 =	vadd.f32 v1, v48  }
0xb9: {  	s29 =	sshll.u32 s20, $0x4;
	s28 =	sand.u32 $0x8000, s23;
	[tilespmem:s21+$0x30] =	vst v0;
	v0 =	vadd.f32 v6, v3  }
0xba: {  	s23 =	sand.u32 $0x70, s29;
	s21 =	sor.u32 s6, s28;
	v2 =	vadd.f32 v5, v4;
	[tilespmem:s22+$0x40] =	vst v1  }
0xbb: {  	p0 =	seq.s32 s20, $0x0;
	s21 =	sor.u32 s23, s21;
	[tilespmem:s22+$0x50] =	vst v0  }
0xbc: {  	s30 =	sadd.s32 s1, s21;
	[tilespmem:s22+$0x60] =	vst v2;
	s22 =	simm.s32 @!p0 $0x2  }
0xbd: {  	[hbm4b:s30+s11] =	stream.strided.scatter [tilespmem:s15], [sflag:$0x1], $0x2000, s12, s11, $0x38;
	[tilespmem:$0x1C000] =	vst v63  }
0xbe: {  	_ =	swait.ge @!p0 [sflag:s22], $0x2000  }
0xbf: {  	[sflag:s22] =	ssyncset.done @!p0 $0x0  }
0xc0: {  	s31 =	simm.s32 $0x120F0;
	[sflag:s22] =	ssyncadd.s32 @!p0 $0xFFFFE000  }
0xc1: {  	v0 =	vld [tilespmem:s31+$0x0]  }
0xc2: {  	v1 =	vld [tilespmem:s31+$0xFFFFFF20]  }
0xc3: {  	v2 =	vld [tilespmem:s31+$0xFFFFFF30]  }
0xc4: {  	v3 =	vld [tilespmem:s31+$0xFFFFFF40]  }
0xc5: {  	v4 =	vld [tilespmem:s31+$0xFFFFFF50]  }
0xc6: {  	v11 =	vld [tilespmem:s31+$0xFFFFFF60]  }
0xc7: {  	v12 =	vld [tilespmem:s31+$0xFFFFFF70]  }
0xc8: {  	v13 =	vld [tilespmem:s31+$0xFFFFFF80]  }
0xc9: {  	v14 =	vld [tilespmem:s31+$0xFFFFFF90]  }
0xca: {  	v15 =	vld [tilespmem:s31+$0xFFFFFFA0];
	v5 =	vtrunc.f32 v0  }
0xcb: {  	v16 =	vld [tilespmem:s31+$0xFFFFFFB0];
	v7 =	vtrunc.f32 v1;
	v5 =	vcvt.f32.s32 v5  }
0xcc: {  	v19 =	vld [tilespmem:s31+$0xFFFFFFC0];
	v17 =	vcvt.f32.s32 v7;
	v7 =	vtrunc.f32 v2  }
0xcd: {  	v23 =	vld [tilespmem:s31+$0xFFFFFFD0];
	v18 =	vcvt.f32.s32 v7;
	v7 =	vtrunc.f32 v3  }
0xce: {  	v26 =	vld [tilespmem:s31+$0xFFFFFFE0];
	v6 =	vadd.s32 $0x1, v5;
	v20 =	vcvt.f32.s32 v7  }
0xcf: {  	v28 =	vld [tilespmem:s31+$0xFFFFFFF0];
	v8 =	vadd.s32 $0x1, v17;
	v7 =	vtrunc.f32 v4;
	v61 =	vcvt.s32.f32 v17  }
0xd0: {  	v31 =	vld [tilespmem:s31+$0xFFFFFF10];
	v10 =	vadd.s32 $0x1, v18;
	v22 =	vcvt.f32.s32 v7;
	v7 =	vtrunc.f32 v11  }
0xd1: {  	v24 =	vcvt.f32.s32 v7;
	v7 =	vtrunc.f32 v12;
	v9 =	vld.idx.msk [tilespmem:v5+s3+$0x0], $0xffff  }
0xd2: {  	v21 =	vadd.s32 $0x1, v20;
	v27 =	vcvt.f32.s32 v7;
	v7 =	vtrunc.f32 v13;
	v17 =	vld.idx.msk [tilespmem:v17+s3+$0x0], $0xffff  }
0xd3: {  	v25 =	vadd.s32 $0x1, v22;
	v30 =	vcvt.f32.s32 v7;
	v7 =	vtrunc.f32 v14;
	v6 =	vld.idx.msk [tilespmem:v6+s3+$0x0], $0xffff  }
0xd4: {  	v29 =	vadd.s32 $0x1, v24;
	v33 =	vcvt.f32.s32 v7;
	v7 =	vtrunc.f32 v15;
	v34 =	vld.idx.msk [tilespmem:v8+s3+$0x0], $0xffff  }
0xd5: {  	v8 =	vadd.s32 $0x1, v30;
	v35 =	vcvt.f32.s32 v7;
	v7 =	vtrunc.f32 v16;
	v36 =	vld.idx.msk [tilespmem:v10+s3+$0x0], $0xffff  }
0xd6: {  	v55 =	vld.idx.msk [tilespmem:v20+s3+$0x0], $0xffff;
	v10 =	vadd.s32 $0x1, v33;
	v37 =	vcvt.f32.s32 v7;
	v7 =	vtrunc.f32 v19  }
0xd7: {  	v38 =	vld.idx.msk [tilespmem:v21+s3+$0x0], $0xffff;
	v21 =	vadd.s32 $0x1, v35;
	v39 =	vcvt.f32.s32 v7;
	v7 =	vtrunc.f32 v23  }
0xd8: {  	v40 =	vld.idx.msk [tilespmem:v25+s3+$0x0], $0xffff;
	v25 =	vadd.s32 $0x1, v37;
	v41 =	vcvt.f32.s32 v7;
	v7 =	vtrunc.f32 v31  }
0xd9: {  	v43 =	vtrunc.f32 v26;
	v29 =	vld.idx.msk [tilespmem:v29+s3+$0x0], $0xffff;
	v42 =	vadd.s32 $0x1, v39;
	v44 =	vcvt.f32.s32 v7  }
0xda: {  	v43 =	vcvt.f32.s32 v43;
	v46 =	vld.idx.msk [tilespmem:v8+s3+$0x0], $0xffff  }
0xdb: {  	v63 =	vcvt.s32.f32 v22;
	v7 =	vtrunc.f32 v28;
	v8 =	vadd.s32 $0x1, v44;
	v56 =	vld.idx.msk [tilespmem:v10+s3+$0x0], $0xffff  }
0xdc: {  	v49 =	vadd.s32 $0x1, v43;
	v5 =	vcvt.s32.f32 v5;
	v47 =	vcvt.f32.s32 v7;
	v10 =	vld.idx.msk [tilespmem:v21+s3+$0x0], $0xffff  }
0xdd: {  	v60 =	vadd.s32 $0x1, v27;
	v4 =	vsub.f32 v4, v63;
	v7 =	vld.idx.msk [tilespmem:v25+s3+$0x0], $0xffff  }
0xde: {  	v0 =	vsub.f32 v0, v5;
	v51 =	vcvt.s32.f32 v33;
	v21 =	vadd.s32 $0x1, v47;
	v50 =	vld.idx.msk [tilespmem:v42+s3+$0x0], $0xffff  }
0xdf: {  	v52 =	vcvt.s32.f32 v37;
	v25 =	vsub.f32 v6, v9;
	v6 =	vcvt.s32.f32 v44;
	v44 =	vld.idx.msk [tilespmem:v44+s3+$0x0], $0xffff  }
0xe0: {  	v45 =	vadd.s32 $0x1, v41;
	v42 =	vsub.f32 v1, v61;
	v1 =	vcvt.s32.f32 v20;
	v62 =	vld.idx.msk [tilespmem:v8+s3+$0x0], $0xffff  }
0xe1: {  	v0 =	vmul.f32 v25, v0;
	v25 =	vcvt.s32.f32 v18;
	v31 =	vsub.f32 v31, v6;
	v8 =	vld.idx.msk [tilespmem:v49+s3+$0x0], $0xffff  }
0xe2: {  	v6 =	vcvt.s32.f32 v30;
	v3 =	vsub.f32 v3, v1;
	v1 =	vcvt.s32.f32 v35;
	v49 =	vld.idx.msk [tilespmem:v18+s3+$0x0], $0xffff  }
0xe3: {  	v18 =	vsub.f32 v14, v51;
	v0 =	vadd.f32 v0, v9;
	v9 =	vld.idx.msk [tilespmem:v21+s3+$0x0], $0xffff;
	v21 =	vcvt.s32.f32 v24  }
0xe4: {  	v32 =	vld.idx.msk [tilespmem:v60+s3+$0x0], $0xffff;
	v14 =	vsub.f32 v16, v52;
	v2 =	vsub.f32 v2, v25;
	v25 =	vcvt.s32.f32 v27  }
0xe5: {  	v20 =	vld.idx.msk [tilespmem:v27+s3+$0x0], $0xffff;
	v15 =	vsub.f32 v15, v1;
	v53 =	vsub.f32 v11, v21;
	v11 =	vcvt.s32.f32 v39  }
0xe6: {  	v54 =	vsub.f32 v12, v25;
	v21 =	vsub.f32 v13, v6;
	v6 =	vld.idx.msk [tilespmem:v22+s3+$0x0], $0xffff;
	v12 =	vcvt.s32.f32 v41  }
0xe7: {  	v48 =	vld.idx.msk [tilespmem:v41+s3+$0x0], $0xffff;
	v1 =	vcvt.s32.f32 v43;
	v13 =	vsub.f32 v19, v11;
	v11 =	vsub.f32 v62, v44  }
0xe8: {  	v16 =	vcvt.s32.f32 v47;
	v25 =	vld.idx.msk [tilespmem:v24+s3+$0x0], $0xffff;
	v12 =	vsub.f32 v23, v12;
	v23 =	vsub.f32 v34, v17  }
0xe9: {  	v22 =	vld.idx.msk [tilespmem:v30+s3+$0x0], $0xffff;
	v57 =	vsub.f32 v26, v1;
	v26 =	vsub.f32 v36, v49  }
0xea: {  	v60 =	vsub.f32 v28, v16;
	v19 =	vld.idx.msk [tilespmem:v33+s3+$0x0], $0xffff;
	v24 =	vmul.f32 v11, v31;
	v27 =	vmul.f32 v23, v42  }
0xeb: {  	v5 =	vld.idx.msk [tilespmem:v45+s3+$0x0], $0xffff;
	v28 =	vsub.f32 v38, v55;
	v2 =	vmul.f32 v26, v2;
	v26 =	vsub.f32 v40, v6  }
0xec: {  	v16 =	vld.idx.msk [tilespmem:v37+s3+$0x0], $0xffff;
	v23 =	vadd.f32 v24, v44;
	v24 =	vadd.f32 v27, v17  }
0xed: {  	v3 =	vmul.f32 v28, v3;
	v11 =	vld.idx.msk [tilespmem:v35+s3+$0x0], $0xffff;
	v27 =	vsub.f32 v29, v25;
	v28 =	vadd.f32 v2, v49  }
0xee: {  	s22 =	simm.s32 $0x1A080;
	v17 =	vld.idx.msk [tilespmem:v39+s3+$0x0], $0xffff;
	v29 =	vsub.f32 v32, v20;
	v32 =	vsub.f32 v46, v22;
	v4 =	vmul.f32 v26, v4  }
0xef: {  	[tilespmem:s22+$0x70] =	vst v0;
	v26 =	vadd.f32 v3, v55;
	v3 =	vld.idx.msk [tilespmem:v43+s3+$0x0], $0xffff;
	v30 =	vsub.f32 v56, v19  }
0xf0: {  	s24 =	simm.s32 $0x0;
	s25 =	simm.s32 $0x121F0;
	s23 =	simm.s32 $0x1A080;
	v31 =	vmul.f32 v27, v53;
	v29 =	vmul.f32 v29, v54;
	v27 =	vadd.f32 v4, v6;
	v4 =	vld.idx.msk [tilespmem:v47+s3+$0x0], $0xffff  }
.LBB2_7:
0xf1: {  	v33 =	vld [tilespmem:s25+$0x0]  }
0xf2: {  	[tilespmem:s22+$0xFFFFFF80] =	vst v23;
	v23 =	vadd.f32 v31, v25;
	v25 =	vld [tilespmem:s25+$0xFFFFFF20];
	v18 =	vmul.f32 v30, v18  }
0xf3: {  	v20 =	vadd.f32 v29, v20;
	v29 =	vld [tilespmem:s25+$0xFFFFFFA0]  }
0xf4: {  	v21 =	vmul.f32 v32, v21;
	v30 =	vld [tilespmem:s25+$0xFFFFFFB0];
	v18 =	vadd.f32 v18, v19;
	v10 =	vsub.f32 v10, v11  }
0xf5: {  	[tilespmem:s22+$0xFFFFFF90] =	vst v24;
	v31 =	vld [tilespmem:s25+$0xFFFFFFC0];
	v24 =	vsub.f32 v7, v16;
	v19 =	vsub.f32 v5, v48  }
0xf6: {  	v6 =	vld [tilespmem:s25+$0xFFFFFF40];
	v21 =	vadd.f32 v21, v22;
	v22 =	vtrunc.f32 v33;
	v10 =	vmul.f32 v10, v15  }
0xf7: {  	v7 =	vld [tilespmem:s25+$0xFFFFFF30];
	v14 =	vmul.f32 v24, v14;
	v0 =	vmul.f32 v19, v12  }
0xf8: {  	[tilespmem:s22+$0xFFFFFFB0] =	vst v26;
	v5 =	vld [tilespmem:s25+$0xFFFFFF50];
	v15 =	vsub.f32 v50, v17;
	v19 =	vtrunc.f32 v25;
	v26 =	vcvt.f32.s32 v22  }
0xf9: {  	[tilespmem:s22+$0xFFFFFFC0] =	vst v27;
	v27 =	vld [tilespmem:s25+$0xFFFFFF80];
	v12 =	vsub.f32 v9, v4;
	v37 =	vtrunc.f32 v29;
	v40 =	vtrunc.f32 v30  }
0xfa: {  	[tilespmem:s22+$0xFFFFFFA0] =	vst v28;
	v28 =	vld [tilespmem:s25+$0xFFFFFF90];
	v43 =	vtrunc.f32 v31;
	v37 =	vcvt.f32.s32 v37;
	v10 =	vadd.f32 v10, v11  }
0xfb: {  	v38 =	vld [tilespmem:s25+$0xFFFFFFD0];
	v15 =	vmul.f32 v15, v13;
	v13 =	vsub.f32 v8, v3;
	v14 =	vadd.f32 v14, v16  }
0xfc: {  	v41 =	vld [tilespmem:s25+$0xFFFFFFE0];
	[tilespmem:s22+$0xFFFFFFF0] =	vst v21;
	v16 =	vcvt.f32.s32 v19;
	v21 =	vadd.s32 $0x1, v26;
	v19 =	vtrunc.f32 v7  }
0xfd: {  	v9 =	vld [tilespmem:s25+$0xFFFFFF70];
	[tilespmem:s22+$0xFFFFFFE0] =	vst v20;
	v20 =	vtrunc.f32 v5;
	v15 =	vadd.f32 v15, v17;
	v17 =	vcvt.f32.s32 v19  }
0xfe: {  	[tilespmem:s22+$0x0] =	vst v18;
	v8 =	vld [tilespmem:s25+$0xFFFFFF60];
	v24 =	vtrunc.f32 v27;
	v18 =	vadd.s32 $0x1, v16;
	v20 =	vcvt.f32.s32 v20  }
0xff: {  	v44 =	vld [tilespmem:s25+$0xFFFFFFF0];
	v35 =	vtrunc.f32 v28;
	[tilespmem:s22+$0x10] =	vst v10;
	v24 =	vcvt.f32.s32 v24;
	v10 =	vadd.s32 $0x1, v17  }
0x100: {  	v45 =	vld [tilespmem:s25+$0xFFFFFF10];
	v40 =	vcvt.f32.s32 v40;
	v35 =	vcvt.f32.s32 v35;
	[tilespmem:s22+$0x30] =	vst v15;
	v15 =	vadd.s32 $0x1, v20  }
0x101: {  	v19 =	vtrunc.f32 v6;
	v47 =	vcvt.s32.f32 v16;
	v63 =	vld.idx.msk [tilespmem:v26+s3+$0x0], $0xffff;
	v39 =	vadd.s32 $0x1, v24  }
0x102: {  	[tilespmem:s22+$0xFFFFFFD0] =	vst v23;
	v19 =	vcvt.f32.s32 v19;
	v23 =	vtrunc.f32 v9;
	v42 =	vadd.s32 $0x1, v35;
	v21 =	vld.idx.msk [tilespmem:v21+s3+$0x0], $0xffff  }
0x103: {  	[tilespmem:$0x1FFC0] =	vst v0;
	v49 =	vadd.s32 $0x1, v40;
	v23 =	vcvt.f32.s32 v23;
	v22 =	vtrunc.f32 v8;
	v11 =	vld.idx.msk [tilespmem:v18+s3+$0x0], $0xffff  }
0x104: {  	[tilespmem:s22+$0x20] =	vst v14;
	v26 =	vcvt.s32.f32 v26;
	v14 =	vadd.s32 $0x1, v19;
	v22 =	vcvt.f32.s32 v22;
	v0 =	vld.idx.msk [tilespmem:v10+s3+$0x0], $0xffff  }
0x105: {  	v47 =	vsub.f32 v25, v47;
	v25 =	vtrunc.f32 v45;
	v36 =	vadd.s32 $0x1, v23;
	v52 =	vld.idx.msk [tilespmem:v15+s3+$0x0], $0xffff  }
0x106: {  	v25 =	vcvt.f32.s32 v25;
	v18 =	vcvt.s32.f32 v17;
	v34 =	vadd.s32 $0x1, v22;
	v32 =	vld.idx.msk [tilespmem:v39+s3+$0x0], $0xffff  }
0x107: {  	v43 =	vcvt.f32.s32 v43;
	v26 =	vsub.f32 v33, v26;
	v15 =	vtrunc.f32 v44;
	v42 =	vld.idx.msk [tilespmem:v42+s3+$0x0], $0xffff  }
0x108: {  	v58 =	vsub.f32 v7, v18;
	v7 =	vld.idx.msk [tilespmem:v49+s3+$0x0], $0xffff;
	v54 =	vcvt.f32.s32 v15;
	v15 =	vcvt.s32.f32 v19  }
0x109: {  	v10 =	vtrunc.f32 v38;
	v21 =	vsub.f32 v21, v63;
	v33 =	vld.idx.msk [tilespmem:v14+s3+$0x0], $0xffff;
	v14 =	vadd.s32 $0x1, v43  }
0x10a: {  	v51 =	vcvt.f32.s32 v10;
	v36 =	vld.idx.msk [tilespmem:v36+s3+$0x0], $0xffff;
	v49 =	vsub.f32 v6, v15;
	v15 =	vcvt.s32.f32 v37  }
0x10b: {  	v46 =	vadd.s32 $0x1, v37;
	v21 =	vmul.f32 v21, v26;
	v26 =	vld.idx.msk [tilespmem:v34+s3+$0x0], $0xffff  }
0x10c: {  	v34 =	vadd.s32 $0x1, v51;
	v15 =	vsub.f32 v29, v15;
	v29 =	vld.idx.msk [tilespmem:v25+s3+$0x0], $0xffff  }
0x10d: {  	v55 =	vcvt.s32.f32 v25;
	v56 =	vadd.s32 $0x1, v25;
	v10 =	vtrunc.f32 v41;
	v25 =	vld.idx.msk [tilespmem:v22+s3+$0x0], $0xffff  }
0x10e: {  	v18 =	vcvt.s32.f32 v22;
	v53 =	vcvt.f32.s32 v10;
	v10 =	vadd.f32 v21, v63;
	v22 =	vld.idx.msk [tilespmem:v24+s3+$0x0], $0xffff  }
0x10f: {  	s22 =	sadd.s32 $0x100, s22;
	v59 =	vcvt.s32.f32 v23;
	v45 =	vsub.f32 v45, v55;
	v21 =	vcvt.s32.f32 v20;
	v50 =	vld.idx.msk [tilespmem:v14+s3+$0x0], $0xffff  }
0x110: {  	v55 =	vcvt.s32.f32 v35;
	v2 =	vadd.s32 $0x1, v54;
	[tilespmem:s22+$0x70] =	vst v10;
	v10 =	vld.idx.msk [tilespmem:v46+s3+$0x0], $0xffff;
	v46 =	vcvt.s32.f32 v24  }
0x111: {  	v6 =	vcvt.s32.f32 v40;
	v1 =	vcvt.s32.f32 v54;
	v61 =	vsub.f32 v5, v21;
	v5 =	vld.idx.msk [tilespmem:v34+s3+$0x0], $0xffff  }
0x112: {  	v34 =	vld.idx.msk [tilespmem:v56+s3+$0x0], $0xffff;
	v56 =	vsub.f32 v8, v18;
	v21 =	vsub.f32 v27, v46;
	v27 =	vmul.f32 v13, v57  }
0x113: {  	v18 =	vsub.f32 v28, v55;
	v28 =	vmul.f32 v12, v60;
	v60 =	vsub.f32 v44, v1;
	v1 =	vld [tilespmem:$0x1FFC0]  }
0x114: {  	v59 =	vsub.f32 v9, v59;
	[tilespmem:$0x1FFD0] =	vst v0;
	v0 =	vcvt.s32.f32 v53;
	v14 =	vsub.f32 v30, v6;
	v30 =	vld.idx.msk [tilespmem:v16+s3+$0x0], $0xffff  }
0x115: {  	v39 =	vadd.s32 $0x1, v53;
	v9 =	vld.idx.msk [tilespmem:v2+s3+$0x0], $0xffff;
	v2 =	vadd.f32 v27, v3;
	v3 =	vadd.f32 v28, v4  }
0x116: {  	v62 =	vcvt.s32.f32 v43;
	v57 =	vsub.f32 v41, v0;
	v0 =	vld.idx.msk [tilespmem:v17+s3+$0x0], $0xffff  }
0x117: {  	[tilespmem:s23+$0x60] =	vst v3;
	v3 =	vld [tilespmem:$0x1FFD0]  }
0x118: {  	v13 =	vsub.f32 v31, v62;
	v31 =	vld.idx.msk [tilespmem:v19+s3+$0x0], $0xffff;
	v1 =	vadd.f32 v1, v48  }
0x119: {  	v4 =	vld.idx.msk [tilespmem:v20+s3+$0x0], $0xffff  }
0x11a: {  	v63 =	vcvt.s32.f32 v51;
	v8 =	vld.idx.msk [tilespmem:v39+s3+$0x0], $0xffff;
	[tilespmem:s23+$0x40] =	vst v1;
	v1 =	vsub.f32 v34, v29  }
0x11b: {  	v20 =	vld.idx.msk [tilespmem:v23+s3+$0x0], $0xffff;
	[tilespmem:s23+$0x50] =	vst v2;
	v2 =	vsub.f32 v11, v30  }
0x11c: {  	s24 =	sadd.s32 $0x10, s24;
	v12 =	vsub.f32 v38, v63;
	v19 =	vld.idx.msk [tilespmem:v35+s3+$0x0], $0xffff;
	v1 =	vmul.f32 v1, v45;
	v3 =	vsub.f32 v3, v0  }
0x11d: {  	p0 =	slt.u32 s24, $0x1F0;
	v16 =	vld.idx.msk [tilespmem:v40+s3+$0x0], $0xffff;
	v32 =	vsub.f32 v32, v22;
	v17 =	vsub.f32 v33, v31;
	v2 =	vmul.f32 v2, v47  }
.Ltmp2:
0x11e: {  	v11 =	vld.idx.msk [tilespmem:v37+s3+$0x0], $0xffff;
	v23 =	vadd.f32 v1, v29;
	v1 =	vmul.f32 v3, v58;
	v3 =	vsub.f32 v52, v4;
	(pc) =	sbr.rel @p0 .LBB2_7-.Ltmp2, $4  }
0x11f: {  	v27 =	vmul.f32 v17, v49;
	v17 =	vld.idx.msk [tilespmem:v43+s3+$0x0], $0xffff;
	v24 =	vadd.f32 v2, v30;
	v29 =	vsub.f32 v26, v25  }
0x120: {  	v48 =	vld.idx.msk [tilespmem:v51+s3+$0x0], $0xffff;
	v28 =	vadd.f32 v1, v0;
	v0 =	vmul.f32 v3, v61;
	v1 =	vsub.f32 v36, v20  }
0x121: {  	v30 =	vsub.f32 v42, v19;
	v26 =	vadd.f32 v27, v31;
	v3 =	vld.idx.msk [tilespmem:v53+s3+$0x0], $0xffff  }
0x122: {  	s25 =	sadd.s32 $0x100, s25;
	s23 =	smov.u32 s22;
	v31 =	vmul.f32 v29, v56;
	v27 =	vadd.f32 v0, v4;
	v29 =	vmul.f32 v1, v59;
	v4 =	vld.idx.msk [tilespmem:v54+s3+$0x0], $0xffff  }
0x123: {  	[tilespmem:s22+$0xFFFFFF80] =	vst v23  }
0x124: {  	[tilespmem:s22+$0xFFFFFF90] =	vst v24  }
0x125: {  	[tilespmem:s22+$0xFFFFFFA0] =	vst v28  }
0x126: {  	v1 =	vmul.f32 v32, v21;
	v10 =	vsub.f32 v10, v11;
	[tilespmem:s22+$0xFFFFFFB0] =	vst v26;
	v0 =	vadd.f32 v31, v25  }
0x127: {  	v18 =	vmul.f32 v30, v18;
	v7 =	vsub.f32 v7, v16;
	v20 =	vadd.f32 v29, v20;
	[tilespmem:s22+$0xFFFFFFC0] =	vst v27  }
0x128: {  	v6 =	vsub.f32 v50, v17;
	v1 =	vadd.f32 v1, v22;
	v10 =	vmul.f32 v10, v15;
	[tilespmem:s22+$0xFFFFFFD0] =	vst v0  }
0x129: {  	v7 =	vmul.f32 v7, v14;
	v5 =	vsub.f32 v5, v48;
	v0 =	vadd.f32 v18, v19;
	[tilespmem:s22+$0xFFFFFFE0] =	vst v20  }
0x12a: {  	v6 =	vmul.f32 v6, v13;
	v8 =	vsub.f32 v8, v3;
	v10 =	vadd.f32 v10, v11;
	[tilespmem:s22+$0xFFFFFFF0] =	vst v1  }
0x12b: {  	v1 =	vmul.f32 v5, v12;
	v5 =	vsub.f32 v9, v4;
	v7 =	vadd.f32 v7, v16;
	[tilespmem:s22+$0x0] =	vst v0  }
0x12c: {  	v0 =	vadd.f32 v6, v17;
	v6 =	vmul.f32 v8, v57;
	[tilespmem:s22+$0x10] =	vst v10  }
0x12d: {  	[tilespmem:s22+$0x20] =	vst v7;
	v5 =	vmul.f32 v5, v60;
	v1 =	vadd.f32 v1, v48  }
0x12e: {  	[tilespmem:s22+$0x30] =	vst v0;
	v0 =	vadd.f32 v6, v3  }
0x12f: {  	v2 =	vadd.f32 v5, v4;
	[tilespmem:s23+$0x40] =	vst v1  }
0x130: {  	[tilespmem:s23+$0x50] =	vst v0  }
0x131: {  	s31 =	sadd.s32 s21, s7;
	[tilespmem:s23+$0x60] =	vst v2  }
0x132: {  	[hbm4b:s31+s11] =	stream.strided.scatter [tilespmem:s16], [sflag:$0x2], $0x2000, s12, s11, $0x38;
	[tilespmem:$0x1C000] =	vst v63  }
0x133: {  	_ =	swait.ge [sflag:s17], $0x2000  }
0x134: {  	[sflag:s17] =	ssyncset.done $0x0  }
0x135: {  	s22 =	simm.s32 $0x0;
	[sflag:s17] =	ssyncadd.s32 $0xFFFFE000  }
0x136: {  	v0 =	vld [tilespmem:s22+$0x140F0]  }
0x137: {  	v1 =	vld [tilespmem:s22+$0x14000]  }
0x138: {  	v2 =	vld [tilespmem:s22+$0x14010]  }
0x139: {  	v3 =	vld [tilespmem:s22+$0x14020]  }
0x13a: {  	v8 =	vld [tilespmem:s22+$0x14030]  }
0x13b: {  	v13 =	vld [tilespmem:s22+$0x14040]  }
0x13c: {  	v14 =	vld [tilespmem:s22+$0x14050]  }
0x13d: {  	v15 =	vld [tilespmem:s22+$0x14060]  }
0x13e: {  	v16 =	vld [tilespmem:s22+$0x14070]  }
0x13f: {  	v17 =	vld [tilespmem:s22+$0x14080];
	v4 =	vtrunc.f32 v0  }
0x140: {  	v19 =	vld [tilespmem:s22+$0x14090];
	v6 =	vtrunc.f32 v1;
	v5 =	vcvt.f32.s32 v4  }
0x141: {  	v21 =	vld [tilespmem:s22+$0x140A0];
	v18 =	vcvt.f32.s32 v6  }
0x142: {  	v25 =	vld [tilespmem:s22+$0x140B0]  }
0x143: {  	v27 =	vld [tilespmem:s22+$0x140C0];
	v6 =	vtrunc.f32 v2;
	v4 =	vadd.s32 $0x1, v5  }
0x144: {  	v29 =	vld [tilespmem:s22+$0x140D0];
	v20 =	vcvt.f32.s32 v6;
	v6 =	vtrunc.f32 v3;
	v9 =	vadd.s32 $0x1, v18  }
0x145: {  	v31 =	vld [tilespmem:s22+$0x140E0];
	v22 =	vcvt.f32.s32 v6;
	v6 =	vtrunc.f32 v8  }
0x146: {  	v24 =	vcvt.f32.s32 v6;
	v6 =	vtrunc.f32 v13;
	v7 =	vld.idx.msk [tilespmem:v5+s3+$0x0], $0xffff  }
0x147: {  	v11 =	vadd.s32 $0x1, v22;
	v26 =	vcvt.f32.s32 v6;
	v6 =	vtrunc.f32 v14;
	v51 =	vld.idx.msk [tilespmem:v18+s3+$0x0], $0xffff  }
0x148: {  	v58 =	vcvt.s32.f32 v22;
	v28 =	vcvt.f32.s32 v6;
	v10 =	vld.idx.msk [tilespmem:v4+s3+$0x0], $0xffff  }
0x149: {  	v12 =	vadd.s32 $0x1, v24;
	v6 =	vtrunc.f32 v15;
	v59 =	vcvt.s32.f32 v24;
	v34 =	vld.idx.msk [tilespmem:v9+s3+$0x0], $0xffff  }
0x14a: {  	v23 =	vadd.s32 $0x1, v26;
	v30 =	vcvt.f32.s32 v6;
	v6 =	vtrunc.f32 v16;
	v52 =	vld.idx.msk [tilespmem:v20+s3+$0x0], $0xffff  }
0x14b: {  	v5 =	vcvt.s32.f32 v5;
	v60 =	vcvt.s32.f32 v26;
	v3 =	vsub.f32 v3, v58;
	v54 =	vld.idx.msk [tilespmem:v22+s3+$0x0], $0xffff  }
0x14c: {  	v4 =	vadd.s32 $0x1, v20;
	v33 =	vcvt.f32.s32 v6;
	v6 =	vtrunc.f32 v17;
	v39 =	vld.idx.msk [tilespmem:v11+s3+$0x0], $0xffff  }
0x14d: {  	v55 =	vadd.s32 $0x1, v28;
	v48 =	vsub.f32 v8, v59;
	v35 =	vcvt.f32.s32 v6;
	v63 =	vld.idx.msk [tilespmem:v24+s3+$0x0], $0xffff  }
0x14e: {  	v9 =	vadd.s32 $0x1, v30;
	v6 =	vtrunc.f32 v19;
	v61 =	vcvt.s32.f32 v30;
	v41 =	vld.idx.msk [tilespmem:v12+s3+$0x0], $0xffff  }
0x14f: {  	v0 =	vsub.f32 v0, v5;
	v38 =	vcvt.f32.s32 v6;
	v12 =	vtrunc.f32 v29;
	v8 =	vld.idx.msk [tilespmem:v26+s3+$0x0], $0xffff  }
0x150: {  	v6 =	vadd.s32 $0x1, v35;
	v62 =	vcvt.s32.f32 v35;
	v43 =	vld.idx.msk [tilespmem:v23+s3+$0x0], $0xffff;
	v46 =	vcvt.f32.s32 v12  }
0x151: {  	v37 =	vadd.s32 $0x1, v33;
	v53 =	vcvt.s32.f32 v38;
	v36 =	vld.idx.msk [tilespmem:v4+s3+$0x0], $0xffff;
	v4 =	vtrunc.f32 v21  }
0x152: {  	v26 =	vld.idx.msk [tilespmem:v28+s3+$0x0], $0xffff;
	v5 =	vsub.f32 v10, v7;
	v40 =	vcvt.f32.s32 v4;
	v4 =	vtrunc.f32 v25  }
0x153: {  	v32 =	vld.idx.msk [tilespmem:v55+s3+$0x0], $0xffff;
	v49 =	vadd.s32 $0x1, v46;
	v42 =	vcvt.f32.s32 v4;
	v4 =	vtrunc.f32 v27  }
0x154: {  	v24 =	vld.idx.msk [tilespmem:v30+s3+$0x0], $0xffff;
	v0 =	vmul.f32 v5, v0;
	v23 =	vadd.s32 $0x1, v40;
	v44 =	vcvt.f32.s32 v4  }
0x155: {  	v11 =	vadd.s32 $0x1, v38;
	v4 =	vtrunc.f32 v31;
	v12 =	vld.idx.msk [tilespmem:v6+s3+$0x0], $0xffff;
	v6 =	vcvt.s32.f32 v18  }
0x156: {  	v47 =	vld.idx.msk [tilespmem:v9+s3+$0x0], $0xffff;
	v18 =	vcvt.s32.f32 v33;
	v45 =	vadd.s32 $0x1, v42;
	v4 =	vcvt.f32.s32 v4  }
0x157: {  	v37 =	vld.idx.msk [tilespmem:v37+s3+$0x0], $0xffff;
	v0 =	vadd.f32 v0, v7;
	v56 =	vadd.s32 $0x1, v44;
	v1 =	vsub.f32 v1, v6  }
0x158: {  	v32 =	vsub.f32 v32, v26;
	v6 =	vld.idx.msk [tilespmem:v49+s3+$0x0], $0xffff;
	v49 =	vsub.f32 v13, v60;
	v13 =	vcvt.s32.f32 v40  }
0x159: {  	v57 =	vadd.s32 $0x1, v4;
	v10 =	vld.idx.msk [tilespmem:v23+s3+$0x0], $0xffff;
	v23 =	vcvt.s32.f32 v20;
	v20 =	vsub.f32 v16, v18  }
0x15a: {  	v11 =	vld.idx.msk [tilespmem:v11+s3+$0x0], $0xffff;
	v18 =	vsub.f32 v17, v62;
	v16 =	vsub.f32 v21, v13;
	v13 =	vcvt.s32.f32 v46  }
0x15b: {  	v17 =	vsub.f32 v19, v53;
	v9 =	vld.idx.msk [tilespmem:v45+s3+$0x0], $0xffff;
	v2 =	vsub.f32 v2, v23;
	v23 =	vcvt.s32.f32 v28  }
0x15c: {  	v19 =	vsub.f32 v34, v51;
	v21 =	vcvt.s32.f32 v4;
	v5 =	vld.idx.msk [tilespmem:v56+s3+$0x0], $0xffff;
	v56 =	vsub.f32 v29, v13  }
0x15d: {  	v28 =	vsub.f32 v39, v54;
	v13 =	vld.idx.msk [tilespmem:v38+s3+$0x0], $0xffff;
	v55 =	vsub.f32 v14, v23;
	v14 =	vcvt.s32.f32 v42  }
0x15e: {  	v22 =	vcvt.s32.f32 v44;
	v50 =	vsub.f32 v31, v21;
	v21 =	vsub.f32 v41, v63;
	v7 =	vld.idx.msk [tilespmem:v57+s3+$0x0], $0xffff  }
0x15f: {  	v23 =	vsub.f32 v15, v61;
	v3 =	vmul.f32 v28, v3;
	v15 =	vsub.f32 v25, v14;
	v25 =	vld.idx.msk [tilespmem:v33+s3+$0x0], $0xffff  }
0x160: {  	v31 =	vmul.f32 v21, v48;
	v21 =	vld.idx.msk [tilespmem:v42+s3+$0x0], $0xffff;
	v14 =	vsub.f32 v27, v22;
	v27 =	vsub.f32 v36, v52  }
0x161: {  	[tilespmem:s22+$0x180F0] =	vst v0;
	v19 =	vmul.f32 v19, v1;
	v29 =	vsub.f32 v43, v8;
	v48 =	vld.idx.msk [tilespmem:v44+s3+$0x0], $0xffff  }
0x162: {  	v22 =	vld.idx.msk [tilespmem:v35+s3+$0x0], $0xffff;
	v28 =	vadd.f32 v3, v54;
	v33 =	vsub.f32 v47, v24;
	v2 =	vmul.f32 v27, v2  }
0x163: {  	v34 =	vmul.f32 v29, v49;
	v29 =	vadd.f32 v31, v63;
	v3 =	vld.idx.msk [tilespmem:v46+s3+$0x0], $0xffff;
	v27 =	vadd.f32 v19, v51  }
0x164: {  	s24 =	simm.s32 $0x400;
	s23 =	simm.s32 $0x0;
	v31 =	vmul.f32 v32, v55;
	v19 =	vld.idx.msk [tilespmem:v40+s3+$0x0], $0xffff;
	v30 =	vadd.f32 v2, v52;
	v32 =	vsub.f32 v37, v25  }
.LBB2_9:
0x165: {  	_ = 	snop  }
0x166: {  	s25 =	sshra.s32 s24, $0x2;
	v34 =	vadd.f32 v34, v8;
	v8 =	vld.idx.msk [tilespmem:v4+s3+$0x0], $0xffff  }
0x167: {  	[tilespmem:s22+$0x18000] =	vst v27;
	v23 =	vmul.f32 v33, v23;
	v4 =	vld [tilespmem:s25+$0x140F0];
	v12 =	vsub.f32 v12, v22  }
0x168: {  	v26 =	vadd.f32 v31, v26;
	v20 =	vmul.f32 v32, v20;
	v27 =	vld [tilespmem:s25+$0x14000]  }
0x169: {  	[tilespmem:s22+$0x18010] =	vst v30;
	v41 =	vld [tilespmem:s25+$0x140C0];
	v23 =	vadd.f32 v23, v24;
	v11 =	vsub.f32 v11, v13;
	v12 =	vmul.f32 v12, v18  }
0x16a: {  	[tilespmem:s22+$0x18020] =	vst v28;
	v20 =	vadd.f32 v20, v25;
	v18 =	vsub.f32 v10, v19;
	v10 =	vld [tilespmem:s25+$0x14010]  }
0x16b: {  	[tilespmem:s22+$0x18030] =	vst v29;
	v11 =	vmul.f32 v11, v17;
	v17 =	vsub.f32 v9, v21;
	v9 =	vld [tilespmem:s25+$0x14020];
	v12 =	vadd.f32 v12, v22  }
0x16c: {  	[tilespmem:s22+$0x18040] =	vst v34;
	v16 =	vmul.f32 v18, v16;
	v18 =	vsub.f32 v5, v48;
	v5 =	vld [tilespmem:s25+$0x14030];
	v22 =	vtrunc.f32 v4  }
0x16d: {  	[tilespmem:s22+$0x18050] =	vst v26;
	v17 =	vmul.f32 v17, v15;
	v15 =	vsub.f32 v6, v3;
	v6 =	vld [tilespmem:s25+$0x14040];
	v24 =	vcvt.f32.s32 v22  }
0x16e: {  	[tilespmem:s22+$0x18060] =	vst v23;
	v0 =	vmul.f32 v18, v14;
	v14 =	vsub.f32 v7, v8;
	v7 =	vtrunc.f32 v27;
	v18 =	vld [tilespmem:s25+$0x14050]  }
0x16f: {  	[tilespmem:s22+$0x18070] =	vst v20;
	v25 =	vld [tilespmem:s25+$0x14060];
	v23 =	vadd.f32 v16, v19;
	v16 =	vcvt.f32.s32 v7;
	v7 =	vtrunc.f32 v10  }
0x170: {  	v20 =	vld [tilespmem:s25+$0x14070];
	v11 =	vadd.f32 v11, v13;
	v19 =	vcvt.f32.s32 v7;
	v7 =	vtrunc.f32 v9  }
0x171: {  	v44 =	vld [tilespmem:s25+$0x140D0];
	v17 =	vadd.f32 v17, v21;
	[tilespmem:s22+$0x18080] =	vst v12;
	v21 =	vcvt.f32.s32 v7;
	v7 =	vtrunc.f32 v5  }
0x172: {  	[tilespmem:s22+$0x18090] =	vst v11;
	v28 =	vld [tilespmem:s25+$0x14080];
	v12 =	vadd.s32 $0x1, v16;
	v22 =	vcvt.f32.s32 v7;
	v7 =	vtrunc.f32 v6  }
0x173: {  	v29 =	vld [tilespmem:s25+$0x14090];
	[tilespmem:s22+$0x180B0] =	vst v17;
	v30 =	vcvt.f32.s32 v7;
	v7 =	vtrunc.f32 v18  }
0x174: {  	[tilespmem:s22+$0x180A0] =	vst v23;
	v38 =	vld [tilespmem:s25+$0x140B0];
	v11 =	vadd.s32 $0x1, v19;
	v32 =	vcvt.f32.s32 v7;
	v7 =	vtrunc.f32 v25  }
0x175: {  	v26 =	vadd.s32 $0x1, v24;
	v31 =	vld [tilespmem:s25+$0x140A0];
	v35 =	vcvt.f32.s32 v7;
	v7 =	vtrunc.f32 v20  }
0x176: {  	v47 =	vld [tilespmem:s25+$0x140E0];
	v23 =	vadd.s32 $0x1, v21;
	v37 =	vcvt.f32.s32 v7  }
0x177: {  	v17 =	vadd.s32 $0x1, v22;
	v7 =	vtrunc.f32 v28;
	v13 =	vld.idx.msk [tilespmem:v12+s3+$0x0], $0xffff;
	v12 =	vcvt.s32.f32 v19  }
0x178: {  	v60 =	vld.idx.msk [tilespmem:v24+s3+$0x0], $0xffff;
	v61 =	vadd.s32 $0x1, v30;
	v40 =	vcvt.f32.s32 v7;
	v7 =	vtrunc.f32 v29  }
0x179: {  	[tilespmem:$0x1FFA0] =	vst v0;
	v36 =	vadd.s32 $0x1, v32;
	v0 =	vld.idx.msk [tilespmem:v11+s3+$0x0], $0xffff;
	v11 =	vtrunc.f32 v38;
	v59 =	vcvt.s32.f32 v35  }
0x17a: {  	v26 =	vld.idx.msk [tilespmem:v26+s3+$0x0], $0xffff;
	v39 =	vadd.s32 $0x1, v35;
	v43 =	vcvt.f32.s32 v7;
	v7 =	vtrunc.f32 v31  }
0x17b: {  	v42 =	vadd.s32 $0x1, v37;
	v51 =	vld.idx.msk [tilespmem:v23+s3+$0x0], $0xffff;
	v52 =	vcvt.f32.s32 v11;
	v11 =	vtrunc.f32 v41  }
0x17c: {  	v45 =	vadd.s32 $0x1, v40;
	v46 =	vcvt.f32.s32 v7;
	v7 =	vcvt.s32.f32 v24;
	v53 =	vld.idx.msk [tilespmem:v17+s3+$0x0], $0xffff  }
0x17d: {  	v24 =	vcvt.s32.f32 v16;
	v17 =	vtrunc.f32 v44;
	v49 =	vadd.s32 $0x1, v43;
	v34 =	vld.idx.msk [tilespmem:v61+s3+$0x0], $0xffff  }
0x17e: {  	v54 =	vcvt.f32.s32 v11;
	v11 =	vcvt.s32.f32 v21;
	v23 =	vadd.s32 $0x1, v46;
	v36 =	vld.idx.msk [tilespmem:v36+s3+$0x0], $0xffff  }
0x17f: {  	v55 =	vcvt.f32.s32 v17;
	v27 =	vsub.f32 v27, v24;
	v24 =	vadd.s32 $0x1, v52;
	v33 =	vld.idx.msk [tilespmem:v39+s3+$0x0], $0xffff  }
0x180: {  	v4 =	vsub.f32 v4, v7;
	v7 =	vsub.f32 v26, v60;
	v26 =	vadd.s32 $0x1, v54;
	v42 =	vld.idx.msk [tilespmem:v42+s3+$0x0], $0xffff  }
0x181: {  	v2 =	vmovc v56;
	v58 =	vsub.f32 v10, v12;
	v17 =	vcvt.s32.f32 v22;
	v56 =	vadd.s32 $0x1, v55;
	v12 =	vld.idx.msk [tilespmem:v45+s3+$0x0], $0xffff  }
0x182: {  	v61 =	vcvt.s32.f32 v40;
	v7 =	vmul.f32 v7, v4;
	v45 =	vsub.f32 v9, v11;
	v11 =	vld.idx.msk [tilespmem:v49+s3+$0x0], $0xffff  }
0x183: {  	v39 =	vcvt.s32.f32 v30;
	v4 =	vtrunc.f32 v47;
	v10 =	vld.idx.msk [tilespmem:v23+s3+$0x0], $0xffff  }
0x184: {  	v62 =	vcvt.s32.f32 v46;
	v4 =	vcvt.f32.s32 v4;
	v7 =	vadd.f32 v7, v60;
	v9 =	vld.idx.msk [tilespmem:v24+s3+$0x0], $0xffff  }
0x185: {  	v39 =	vsub.f32 v6, v39;
	v49 =	vsub.f32 v5, v17;
	v17 =	vcvt.s32.f32 v43;
	v5 =	vld.idx.msk [tilespmem:v26+s3+$0x0], $0xffff  }
0x186: {  	v23 =	vsub.f32 v25, v59;
	v25 =	vmul.f32 v15, v2;
	[tilespmem:s25+$0x180F0] =	vst v7;
	v7 =	vcvt.s32.f32 v32;
	v6 =	vld.idx.msk [tilespmem:v56+s3+$0x0], $0xffff  }
0x187: {  	v1 =	vcvt.s32.f32 v4;
	v17 =	vsub.f32 v29, v17;
	v29 =	vld.idx.msk [tilespmem:v16+s3+$0x0], $0xffff;
	v16 =	vsub.f32 v31, v62  }
0x188: {  	v63 =	vcvt.s32.f32 v52;
	[tilespmem:$0x1FFB0] =	vst v0;
	v31 =	vld.idx.msk [tilespmem:v19+s3+$0x0], $0xffff;
	v2 =	vadd.f32 v25, v3;
	v0 =	vsub.f32 v18, v7  }
0x189: {  	v18 =	vsub.f32 v28, v61;
	v28 =	vmul.f32 v14, v50;
	v50 =	vsub.f32 v47, v1;
	v1 =	vld [tilespmem:$0x1FFA0]  }
0x18a: {  	[tilespmem:s22+$0x180D0] =	vst v2;
	v2 =	vld [tilespmem:$0x1FFB0]  }
0x18b: {  	v15 =	vsub.f32 v38, v63;
	v63 =	vld.idx.msk [tilespmem:v22+s3+$0x0], $0xffff  }
0x18c: {  	v26 =	vcvt.s32.f32 v55;
	v22 =	vld.idx.msk [tilespmem:v40+s3+$0x0], $0xffff  }
0x18d: {  	v62 =	vld.idx.msk [tilespmem:v21+s3+$0x0], $0xffff  }
0x18e: {  	v57 =	vadd.s32 $0x1, v4;
	v56 =	vsub.f32 v44, v26;
	v26 =	vld.idx.msk [tilespmem:v32+s3+$0x0], $0xffff;
	v1 =	vadd.f32 v1, v48  }
0x18f: {  	v24 =	vcvt.s32.f32 v54;
	v25 =	vld.idx.msk [tilespmem:v37+s3+$0x0], $0xffff;
	v2 =	vsub.f32 v2, v31  }
0x190: {  	v60 =	vcvt.s32.f32 v37;
	v3 =	vadd.f32 v28, v8;
	v8 =	vld.idx.msk [tilespmem:v30+s3+$0x0], $0xffff;
	[tilespmem:s22+$0x180C0] =	vst v1;
	v1 =	vsub.f32 v13, v29  }
0x191: {  	s23 =	sadd.s32 $0x10, s23;
	v14 =	vsub.f32 v41, v24;
	v24 =	vld.idx.msk [tilespmem:v35+s3+$0x0], $0xffff;
	v2 =	vmul.f32 v2, v58  }
0x192: {  	p0 =	slt.u32 s23, $0x1F0;
	v20 =	vsub.f32 v20, v60;
	v19 =	vld.idx.msk [tilespmem:v46+s3+$0x0], $0xffff;
	v21 =	vsub.f32 v53, v63;
	v1 =	vmul.f32 v1, v27  }
.Ltmp3:
0x193: {  	v7 =	vld.idx.msk [tilespmem:v57+s3+$0x0], $0xffff;
	[tilespmem:s22+$0x180E0] =	vst v3;
	v3 =	vsub.f32 v51, v62;
	v30 =	vadd.f32 v2, v31;
	(pc) =	sbr.rel @p0 .LBB2_9-.Ltmp3, $4  }
0x194: {  	v13 =	vld.idx.msk [tilespmem:v43+s3+$0x0], $0xffff;
	v31 =	vsub.f32 v36, v26;
	v27 =	vadd.f32 v1, v29  }
0x195: {  	v48 =	vld.idx.msk [tilespmem:v54+s3+$0x0], $0xffff;
	v1 =	vmul.f32 v3, v45;
	v3 =	vsub.f32 v34, v8;
	v29 =	vmul.f32 v21, v49  }
0x196: {  	v32 =	vsub.f32 v42, v25;
	v33 =	vsub.f32 v33, v24;
	v21 =	vld.idx.msk [tilespmem:v52+s3+$0x0], $0xffff;
	v31 =	vmul.f32 v31, v0  }
0x197: {  	s24 =	sadd.s32 $0x400, s24;
	s22 =	smov.u32 s25;
	v28 =	vadd.f32 v1, v62;
	v34 =	vmul.f32 v3, v39;
	v29 =	vadd.f32 v29, v63;
	v3 =	vld.idx.msk [tilespmem:v55+s3+$0x0], $0xffff  }
0x198: {  	_ =	sdelay $0x1  }
0x199: {  	[tilespmem:s22+$0x18000] =	vst v27  }
0x19a: {  	[tilespmem:s22+$0x18010] =	vst v30;
	v1 =	vmul.f32 v33, v23  }
0x19b: {  	v4 =	vld.idx.msk [tilespmem:v4+s3+$0x0], $0xffff;
	v0 =	vadd.f32 v34, v8;
	v8 =	vsub.f32 v12, v22;
	[tilespmem:s22+$0x18020] =	vst v28  }
0x19c: {  	v20 =	vmul.f32 v32, v20;
	v12 =	vadd.f32 v31, v26;
	v11 =	vsub.f32 v11, v13;
	[tilespmem:s22+$0x18030] =	vst v29  }
0x19d: {  	v10 =	vsub.f32 v10, v19;
	v1 =	vadd.f32 v1, v24;
	v8 =	vmul.f32 v8, v18;
	[tilespmem:s22+$0x18040] =	vst v0  }
0x19e: {  	v0 =	vadd.f32 v20, v25;
	v11 =	vmul.f32 v11, v17;
	v9 =	vsub.f32 v9, v21;
	[tilespmem:s22+$0x18050] =	vst v12  }
0x19f: {  	v10 =	vmul.f32 v10, v16;
	v5 =	vsub.f32 v5, v48;
	[tilespmem:s22+$0x18060] =	vst v1;
	v8 =	vadd.f32 v8, v22  }
0x1a0: {  	v6 =	vsub.f32 v6, v3;
	v1 =	vadd.f32 v11, v13;
	v9 =	vmul.f32 v9, v15;
	[tilespmem:s22+$0x18070] =	vst v0  }
0x1a1: {  	v0 =	vmul.f32 v5, v14;
	v5 =	vsub.f32 v7, v4;
	v7 =	vadd.f32 v10, v19;
	[tilespmem:s22+$0x18080] =	vst v8  }
0x1a2: {  	v8 =	vadd.f32 v9, v21;
	[tilespmem:s22+$0x18090] =	vst v1;
	v1 =	vmul.f32 v6, v56  }
0x1a3: {  	[tilespmem:s22+$0x180A0] =	vst v7;
	v5 =	vmul.f32 v5, v50;
	v0 =	vadd.f32 v0, v48  }
0x1a4: {  	[tilespmem:s22+$0x180B0] =	vst v8;
	v1 =	vadd.f32 v1, v3  }
0x1a5: {  	v2 =	vadd.f32 v5, v4;
	[tilespmem:s22+$0x180C0] =	vst v0  }
0x1a6: {  	[tilespmem:s22+$0x180D0] =	vst v1  }
0x1a7: {  	s31 =	sadd.s32 s21, s8;
	[tilespmem:s22+$0x180E0] =	vst v2  }
0x1a8: {  	[hbm4b:s31+s11] =	stream.strided.scatter [tilespmem:s15], [sflag:$0x1], $0x2000, s12, s11, $0x38;
	[tilespmem:$0x1C000] =	vst v63  }
0x1a9: {  	_ =	swait.ge [sflag:s18], $0x2000  }
0x1aa: {  	[sflag:s18] =	ssyncset.done $0x0  }
0x1ab: {  	s22 =	simm.s32 $0x0;
	[sflag:s18] =	ssyncadd.s32 $0xFFFFE000  }
0x1ac: {  	v0 =	vld [tilespmem:s22+$0x160F0]  }
0x1ad: {  	v1 =	vld [tilespmem:s22+$0x16000]  }
0x1ae: {  	v2 =	vld [tilespmem:s22+$0x16010]  }
0x1af: {  	v3 =	vld [tilespmem:s22+$0x16020]  }
0x1b0: {  	v8 =	vld [tilespmem:s22+$0x16030]  }
0x1b1: {  	v13 =	vld [tilespmem:s22+$0x16040]  }
0x1b2: {  	v14 =	vld [tilespmem:s22+$0x16050]  }
0x1b3: {  	v15 =	vld [tilespmem:s22+$0x16060]  }
0x1b4: {  	v16 =	vld [tilespmem:s22+$0x16070]  }
0x1b5: {  	v17 =	vld [tilespmem:s22+$0x16080];
	v4 =	vtrunc.f32 v0  }
0x1b6: {  	v19 =	vld [tilespmem:s22+$0x16090];
	v6 =	vtrunc.f32 v1;
	v5 =	vcvt.f32.s32 v4  }
0x1b7: {  	v21 =	vld [tilespmem:s22+$0x160A0];
	v18 =	vcvt.f32.s32 v6  }
0x1b8: {  	v25 =	vld [tilespmem:s22+$0x160B0]  }
0x1b9: {  	v27 =	vld [tilespmem:s22+$0x160C0];
	v6 =	vtrunc.f32 v2;
	v4 =	vadd.s32 $0x1, v5  }
0x1ba: {  	v29 =	vld [tilespmem:s22+$0x160D0];
	v20 =	vcvt.f32.s32 v6;
	v6 =	vtrunc.f32 v3;
	v9 =	vadd.s32 $0x1, v18  }
0x1bb: {  	v31 =	vld [tilespmem:s22+$0x160E0];
	v22 =	vcvt.f32.s32 v6;
	v6 =	vtrunc.f32 v8  }
0x1bc: {  	v24 =	vcvt.f32.s32 v6;
	v6 =	vtrunc.f32 v13;
	v7 =	vld.idx.msk [tilespmem:v5+s3+$0x0], $0xffff  }
0x1bd: {  	v11 =	vadd.s32 $0x1, v22;
	v26 =	vcvt.f32.s32 v6;
	v6 =	vtrunc.f32 v14;
	v51 =	vld.idx.msk [tilespmem:v18+s3+$0x0], $0xffff  }
0x1be: {  	v59 =	vcvt.s32.f32 v22;
	v12 =	vadd.s32 $0x1, v24;
	v28 =	vcvt.f32.s32 v6;
	v10 =	vld.idx.msk [tilespmem:v4+s3+$0x0], $0xffff  }
0x1bf: {  	v6 =	vtrunc.f32 v15;
	v60 =	vcvt.s32.f32 v24;
	v34 =	vld.idx.msk [tilespmem:v9+s3+$0x0], $0xffff  }
0x1c0: {  	v23 =	vadd.s32 $0x1, v26;
	v30 =	vcvt.f32.s32 v6;
	v6 =	vtrunc.f32 v16;
	v52 =	vld.idx.msk [tilespmem:v20+s3+$0x0], $0xffff  }
0x1c1: {  	v5 =	vcvt.s32.f32 v5;
	v61 =	vcvt.s32.f32 v26;
	v4 =	vadd.s32 $0x1, v20;
	v54 =	vld.idx.msk [tilespmem:v22+s3+$0x0], $0xffff  }
0x1c2: {  	v56 =	vadd.s32 $0x1, v28;
	v33 =	vcvt.f32.s32 v6;
	v6 =	vtrunc.f32 v17;
	v39 =	vld.idx.msk [tilespmem:v11+s3+$0x0], $0xffff  }
0x1c3: {  	v48 =	vsub.f32 v8, v60;
	v35 =	vcvt.f32.s32 v6;
	v6 =	vtrunc.f32 v19;
	v41 =	vld.idx.msk [tilespmem:v12+s3+$0x0], $0xffff  }
0x1c4: {  	v9 =	vadd.s32 $0x1, v30;
	v0 =	vsub.f32 v0, v5;
	v38 =	vcvt.f32.s32 v6;
	v8 =	vld.idx.msk [tilespmem:v26+s3+$0x0], $0xffff  }
0x1c5: {  	v37 =	vadd.s32 $0x1, v33;
	v6 =	vadd.s32 $0x1, v35;
	v12 =	vtrunc.f32 v29;
	v43 =	vld.idx.msk [tilespmem:v23+s3+$0x0], $0xffff  }
0x1c6: {  	v11 =	vadd.s32 $0x1, v38;
	v46 =	vcvt.f32.s32 v12;
	v36 =	vld.idx.msk [tilespmem:v4+s3+$0x0], $0xffff;
	v4 =	vtrunc.f32 v21  }
0x1c7: {  	v26 =	vld.idx.msk [tilespmem:v28+s3+$0x0], $0xffff;
	v5 =	vsub.f32 v10, v7;
	v40 =	vcvt.f32.s32 v4;
	v4 =	vtrunc.f32 v25  }
0x1c8: {  	v32 =	vld.idx.msk [tilespmem:v56+s3+$0x0], $0xffff;
	v49 =	vadd.s32 $0x1, v46;
	v42 =	vcvt.f32.s32 v4;
	v4 =	vtrunc.f32 v27  }
0x1c9: {  	v62 =	vcvt.s32.f32 v30;
	v47 =	vld.idx.msk [tilespmem:v9+s3+$0x0], $0xffff;
	v23 =	vadd.s32 $0x1, v40;
	v44 =	vcvt.f32.s32 v4  }
0x1ca: {  	v63 =	vcvt.s32.f32 v35;
	v37 =	vld.idx.msk [tilespmem:v37+s3+$0x0], $0xffff;
	v0 =	vmul.f32 v5, v0;
	v45 =	vadd.s32 $0x1, v42  }
0x1cb: {  	v4 =	vtrunc.f32 v31;
	v12 =	vld.idx.msk [tilespmem:v6+s3+$0x0], $0xffff;
	v6 =	vcvt.s32.f32 v18;
	v57 =	vadd.s32 $0x1, v44  }
0x1cc: {  	v3 =	vsub.f32 v3, v59;
	v53 =	vcvt.s32.f32 v38;
	v4 =	vcvt.f32.s32 v4;
	v11 =	vld.idx.msk [tilespmem:v11+s3+$0x0], $0xffff  }
0x1cd: {  	v18 =	vcvt.s32.f32 v33;
	v0 =	vadd.f32 v0, v7;
	v1 =	vsub.f32 v1, v6;
	v6 =	vld.idx.msk [tilespmem:v49+s3+$0x0], $0xffff  }
0x1ce: {  	v32 =	vsub.f32 v32, v26;
	v58 =	vadd.s32 $0x1, v4;
	v10 =	vld.idx.msk [tilespmem:v23+s3+$0x0], $0xffff;
	v23 =	vcvt.s32.f32 v20  }
0x1cf: {  	v49 =	vsub.f32 v13, v61;
	v13 =	vcvt.s32.f32 v40;
	v20 =	vsub.f32 v16, v18;
	v9 =	vld.idx.msk [tilespmem:v45+s3+$0x0], $0xffff  }
0x1d0: {  	v18 =	vsub.f32 v17, v63;
	v5 =	vld.idx.msk [tilespmem:v57+s3+$0x0], $0xffff;
	v2 =	vsub.f32 v2, v23;
	v23 =	vcvt.s32.f32 v28  }
0x1d1: {  	v17 =	vsub.f32 v19, v53;
	v16 =	vsub.f32 v21, v13;
	v13 =	vcvt.s32.f32 v46;
	v57 =	vld.idx.msk [tilespmem:v24+s3+$0x0], $0xffff  }
0x1d2: {  	v19 =	vsub.f32 v34, v51;
	v24 =	vld.idx.msk [tilespmem:v30+s3+$0x0], $0xffff;
	v55 =	vsub.f32 v14, v23;
	v14 =	vcvt.s32.f32 v42  }
0x1d3: {  	v22 =	vcvt.s32.f32 v44;
	v56 =	vsub.f32 v29, v13;
	v28 =	vsub.f32 v39, v54;
	v13 =	vld.idx.msk [tilespmem:v38+s3+$0x0], $0xffff  }
0x1d4: {  	v21 =	vcvt.s32.f32 v4;
	v7 =	vld.idx.msk [tilespmem:v58+s3+$0x0], $0xffff;
	v23 =	vsub.f32 v15, v62;
	v15 =	vsub.f32 v25, v14  }
0x1d5: {  	v3 =	vmul.f32 v28, v3;
	v14 =	vsub.f32 v27, v22;
	v27 =	vsub.f32 v36, v52;
	v25 =	vld.idx.msk [tilespmem:v33+s3+$0x0], $0xffff  }
0x1d6: {  	v19 =	vmul.f32 v19, v1;
	v50 =	vsub.f32 v31, v21;
	v22 =	vld.idx.msk [tilespmem:v35+s3+$0x0], $0xffff;
	v21 =	vsub.f32 v41, v57  }
0x1d7: {  	v29 =	vsub.f32 v43, v8;
	v28 =	vadd.f32 v3, v54;
	v3 =	vld.idx.msk [tilespmem:v46+s3+$0x0], $0xffff;
	v2 =	vmul.f32 v27, v2  }
0x1d8: {  	[tilespmem:s22+$0x1A0F0] =	vst v0;
	v27 =	vadd.f32 v19, v51;
	v19 =	vld.idx.msk [tilespmem:v40+s3+$0x0], $0xffff;
	v31 =	vmul.f32 v21, v48  }
0x1d9: {  	v34 =	vmul.f32 v29, v49;
	v33 =	vsub.f32 v47, v24;
	v21 =	vld.idx.msk [tilespmem:v42+s3+$0x0], $0xffff;
	v30 =	vadd.f32 v2, v52  }
0x1da: {  	s23 =	simm.s32 $0x0;
	s24 =	simm.s32 $0x400;
	v48 =	vld.idx.msk [tilespmem:v44+s3+$0x0], $0xffff;
	v29 =	vadd.f32 v31, v57;
	v31 =	vmul.f32 v32, v55;
	v32 =	vsub.f32 v37, v25  }
.LBB2_11:
0x1db: {  	_ = 	snop  }
0x1dc: {  	s25 =	sshra.s32 s24, $0x2;
	v34 =	vadd.f32 v34, v8;
	v8 =	vld.idx.msk [tilespmem:v4+s3+$0x0], $0xffff  }
0x1dd: {  	[tilespmem:s22+$0x1A000] =	vst v27;
	v23 =	vmul.f32 v33, v23;
	v4 =	vld [tilespmem:s25+$0x160F0];
	v12 =	vsub.f32 v12, v22  }
0x1de: {  	v26 =	vadd.f32 v31, v26;
	v20 =	vmul.f32 v32, v20;
	v27 =	vld [tilespmem:s25+$0x16000]  }
0x1df: {  	[tilespmem:s22+$0x1A010] =	vst v30;
	v41 =	vld [tilespmem:s25+$0x160C0];
	v23 =	vadd.f32 v23, v24;
	v11 =	vsub.f32 v11, v13;
	v12 =	vmul.f32 v12, v18  }
0x1e0: {  	[tilespmem:s22+$0x1A020] =	vst v28;
	v20 =	vadd.f32 v20, v25;
	v18 =	vsub.f32 v10, v19;
	v10 =	vld [tilespmem:s25+$0x16010]  }
0x1e1: {  	[tilespmem:s22+$0x1A030] =	vst v29;
	v11 =	vmul.f32 v11, v17;
	v17 =	vsub.f32 v9, v21;
	v9 =	vld [tilespmem:s25+$0x16020];
	v12 =	vadd.f32 v12, v22  }
0x1e2: {  	[tilespmem:s22+$0x1A040] =	vst v34;
	v16 =	vmul.f32 v18, v16;
	v18 =	vsub.f32 v5, v48;
	v5 =	vld [tilespmem:s25+$0x16030];
	v22 =	vtrunc.f32 v4  }
0x1e3: {  	[tilespmem:s22+$0x1A050] =	vst v26;
	v17 =	vmul.f32 v17, v15;
	v15 =	vsub.f32 v6, v3;
	v6 =	vld [tilespmem:s25+$0x16040];
	v24 =	vcvt.f32.s32 v22  }
0x1e4: {  	[tilespmem:s22+$0x1A060] =	vst v23;
	v0 =	vmul.f32 v18, v14;
	v14 =	vsub.f32 v7, v8;
	v7 =	vtrunc.f32 v27;
	v18 =	vld [tilespmem:s25+$0x16050]  }
0x1e5: {  	[tilespmem:s22+$0x1A070] =	vst v20;
	v25 =	vld [tilespmem:s25+$0x16060];
	v23 =	vadd.f32 v16, v19;
	v16 =	vcvt.f32.s32 v7;
	v7 =	vtrunc.f32 v10  }
0x1e6: {  	v20 =	vld [tilespmem:s25+$0x16070];
	v11 =	vadd.f32 v11, v13;
	v19 =	vcvt.f32.s32 v7;
	v7 =	vtrunc.f32 v9  }
0x1e7: {  	v44 =	vld [tilespmem:s25+$0x160D0];
	v17 =	vadd.f32 v17, v21;
	[tilespmem:s22+$0x1A080] =	vst v12;
	v21 =	vcvt.f32.s32 v7;
	v7 =	vtrunc.f32 v5  }
0x1e8: {  	[tilespmem:s22+$0x1A090] =	vst v11;
	v28 =	vld [tilespmem:s25+$0x16080];
	v12 =	vadd.s32 $0x1, v16;
	v22 =	vcvt.f32.s32 v7;
	v7 =	vtrunc.f32 v6  }
0x1e9: {  	v29 =	vld [tilespmem:s25+$0x16090];
	[tilespmem:s22+$0x1A0B0] =	vst v17;
	v30 =	vcvt.f32.s32 v7;
	v7 =	vtrunc.f32 v18  }
0x1ea: {  	[tilespmem:s22+$0x1A0A0] =	vst v23;
	v38 =	vld [tilespmem:s25+$0x160B0];
	v11 =	vadd.s32 $0x1, v19;
	v32 =	vcvt.f32.s32 v7;
	v7 =	vtrunc.f32 v25  }
0x1eb: {  	v26 =	vadd.s32 $0x1, v24;
	v31 =	vld [tilespmem:s25+$0x160A0];
	v35 =	vcvt.f32.s32 v7;
	v7 =	vtrunc.f32 v20  }
0x1ec: {  	v47 =	vld [tilespmem:s25+$0x160E0];
	v23 =	vadd.s32 $0x1, v21;
	v37 =	vcvt.f32.s32 v7  }
0x1ed: {  	v17 =	vadd.s32 $0x1, v22;
	v7 =	vtrunc.f32 v28;
	v13 =	vld.idx.msk [tilespmem:v12+s3+$0x0], $0xffff;
	v12 =	vcvt.s32.f32 v19  }
0x1ee: {  	v60 =	vld.idx.msk [tilespmem:v24+s3+$0x0], $0xffff;
	v61 =	vadd.s32 $0x1, v30;
	v40 =	vcvt.f32.s32 v7;
	v7 =	vtrunc.f32 v29  }
0x1ef: {  	[tilespmem:$0x1FF80] =	vst v0;
	v36 =	vadd.s32 $0x1, v32;
	v0 =	vld.idx.msk [tilespmem:v11+s3+$0x0], $0xffff;
	v11 =	vtrunc.f32 v38;
	v59 =	vcvt.s32.f32 v35  }
0x1f0: {  	v26 =	vld.idx.msk [tilespmem:v26+s3+$0x0], $0xffff;
	v39 =	vadd.s32 $0x1, v35;
	v43 =	vcvt.f32.s32 v7;
	v7 =	vtrunc.f32 v31  }
0x1f1: {  	v42 =	vadd.s32 $0x1, v37;
	v51 =	vld.idx.msk [tilespmem:v23+s3+$0x0], $0xffff;
	v52 =	vcvt.f32.s32 v11;
	v11 =	vtrunc.f32 v41  }
0x1f2: {  	v45 =	vadd.s32 $0x1, v40;
	v46 =	vcvt.f32.s32 v7;
	v7 =	vcvt.s32.f32 v24;
	v53 =	vld.idx.msk [tilespmem:v17+s3+$0x0], $0xffff  }
0x1f3: {  	v24 =	vcvt.s32.f32 v16;
	v17 =	vtrunc.f32 v44;
	v49 =	vadd.s32 $0x1, v43;
	v34 =	vld.idx.msk [tilespmem:v61+s3+$0x0], $0xffff  }
0x1f4: {  	v54 =	vcvt.f32.s32 v11;
	v11 =	vcvt.s32.f32 v21;
	v23 =	vadd.s32 $0x1, v46;
	v36 =	vld.idx.msk [tilespmem:v36+s3+$0x0], $0xffff  }
0x1f5: {  	v55 =	vcvt.f32.s32 v17;
	v27 =	vsub.f32 v27, v24;
	v24 =	vadd.s32 $0x1, v52;
	v33 =	vld.idx.msk [tilespmem:v39+s3+$0x0], $0xffff  }
0x1f6: {  	v4 =	vsub.f32 v4, v7;
	v7 =	vsub.f32 v26, v60;
	v26 =	vadd.s32 $0x1, v54;
	v42 =	vld.idx.msk [tilespmem:v42+s3+$0x0], $0xffff  }
0x1f7: {  	v2 =	vmovc v56;
	v58 =	vsub.f32 v10, v12;
	v17 =	vcvt.s32.f32 v22;
	v56 =	vadd.s32 $0x1, v55;
	v12 =	vld.idx.msk [tilespmem:v45+s3+$0x0], $0xffff  }
0x1f8: {  	v61 =	vcvt.s32.f32 v40;
	v7 =	vmul.f32 v7, v4;
	v45 =	vsub.f32 v9, v11;
	v11 =	vld.idx.msk [tilespmem:v49+s3+$0x0], $0xffff  }
0x1f9: {  	v39 =	vcvt.s32.f32 v30;
	v4 =	vtrunc.f32 v47;
	v10 =	vld.idx.msk [tilespmem:v23+s3+$0x0], $0xffff  }
0x1fa: {  	v62 =	vcvt.s32.f32 v46;
	v4 =	vcvt.f32.s32 v4;
	v7 =	vadd.f32 v7, v60;
	v9 =	vld.idx.msk [tilespmem:v24+s3+$0x0], $0xffff  }
0x1fb: {  	v39 =	vsub.f32 v6, v39;
	v49 =	vsub.f32 v5, v17;
	v17 =	vcvt.s32.f32 v43;
	v5 =	vld.idx.msk [tilespmem:v26+s3+$0x0], $0xffff  }
0x1fc: {  	v23 =	vsub.f32 v25, v59;
	v25 =	vmul.f32 v15, v2;
	[tilespmem:s25+$0x1A0F0] =	vst v7;
	v7 =	vcvt.s32.f32 v32;
	v6 =	vld.idx.msk [tilespmem:v56+s3+$0x0], $0xffff  }
0x1fd: {  	v1 =	vcvt.s32.f32 v4;
	v17 =	vsub.f32 v29, v17;
	v29 =	vld.idx.msk [tilespmem:v16+s3+$0x0], $0xffff;
	v16 =	vsub.f32 v31, v62  }
0x1fe: {  	v63 =	vcvt.s32.f32 v52;
	[tilespmem:$0x1FF90] =	vst v0;
	v31 =	vld.idx.msk [tilespmem:v19+s3+$0x0], $0xffff;
	v2 =	vadd.f32 v25, v3;
	v0 =	vsub.f32 v18, v7  }
0x1ff: {  	v18 =	vsub.f32 v28, v61;
	v28 =	vmul.f32 v14, v50;
	v50 =	vsub.f32 v47, v1;
	v1 =	vld [tilespmem:$0x1FF80]  }
0x200: {  	[tilespmem:s22+$0x1A0D0] =	vst v2;
	v2 =	vld [tilespmem:$0x1FF90]  }
0x201: {  	v15 =	vsub.f32 v38, v63;
	v63 =	vld.idx.msk [tilespmem:v22+s3+$0x0], $0xffff  }
0x202: {  	v26 =	vcvt.s32.f32 v55;
	v22 =	vld.idx.msk [tilespmem:v40+s3+$0x0], $0xffff  }
0x203: {  	v62 =	vld.idx.msk [tilespmem:v21+s3+$0x0], $0xffff  }
0x204: {  	v57 =	vadd.s32 $0x1, v4;
	v56 =	vsub.f32 v44, v26;
	v26 =	vld.idx.msk [tilespmem:v32+s3+$0x0], $0xffff;
	v1 =	vadd.f32 v1, v48  }
0x205: {  	v24 =	vcvt.s32.f32 v54;
	v25 =	vld.idx.msk [tilespmem:v37+s3+$0x0], $0xffff;
	v2 =	vsub.f32 v2, v31  }
0x206: {  	v60 =	vcvt.s32.f32 v37;
	v3 =	vadd.f32 v28, v8;
	v8 =	vld.idx.msk [tilespmem:v30+s3+$0x0], $0xffff;
	[tilespmem:s22+$0x1A0C0] =	vst v1;
	v1 =	vsub.f32 v13, v29  }
0x207: {  	s23 =	sadd.s32 $0x10, s23;
	v14 =	vsub.f32 v41, v24;
	v24 =	vld.idx.msk [tilespmem:v35+s3+$0x0], $0xffff;
	v2 =	vmul.f32 v2, v58  }
0x208: {  	p0 =	slt.u32 s23, $0x1F0;
	v20 =	vsub.f32 v20, v60;
	v19 =	vld.idx.msk [tilespmem:v46+s3+$0x0], $0xffff;
	v21 =	vsub.f32 v53, v63;
	v1 =	vmul.f32 v1, v27  }
.Ltmp4:
0x209: {  	v7 =	vld.idx.msk [tilespmem:v57+s3+$0x0], $0xffff;
	[tilespmem:s22+$0x1A0E0] =	vst v3;
	v3 =	vsub.f32 v51, v62;
	v30 =	vadd.f32 v2, v31;
	(pc) =	sbr.rel @p0 .LBB2_11-.Ltmp4, $4  }
0x20a: {  	v13 =	vld.idx.msk [tilespmem:v43+s3+$0x0], $0xffff;
	v31 =	vsub.f32 v36, v26;
	v27 =	vadd.f32 v1, v29  }
0x20b: {  	v48 =	vld.idx.msk [tilespmem:v54+s3+$0x0], $0xffff;
	v1 =	vmul.f32 v3, v45;
	v3 =	vsub.f32 v34, v8;
	v29 =	vmul.f32 v21, v49  }
0x20c: {  	v32 =	vsub.f32 v42, v25;
	v33 =	vsub.f32 v33, v24;
	v21 =	vld.idx.msk [tilespmem:v52+s3+$0x0], $0xffff;
	v31 =	vmul.f32 v31, v0  }
0x20d: {  	s24 =	sadd.s32 $0x400, s24;
	s22 =	smov.u32 s25;
	v28 =	vadd.f32 v1, v62;
	v34 =	vmul.f32 v3, v39;
	v29 =	vadd.f32 v29, v63;
	v3 =	vld.idx.msk [tilespmem:v55+s3+$0x0], $0xffff  }
0x20e: {  	_ =	sdelay $0x1  }
0x20f: {  	[tilespmem:s22+$0x1A000] =	vst v27  }
0x210: {  	[tilespmem:s22+$0x1A010] =	vst v30;
	v1 =	vmul.f32 v33, v23  }
0x211: {  	v54 =	vsub.f32 v12, v22;
	v4 =	vld.idx.msk [tilespmem:v4+s3+$0x0], $0xffff;
	v55 =	vadd.f32 v31, v26;
	[tilespmem:s22+$0x1A020] =	vst v28  }
0x212: {  	v20 =	vmul.f32 v32, v20;
	v10 =	vsub.f32 v10, v19;
	v0 =	vadd.f32 v34, v8;
	[tilespmem:s22+$0x1A030] =	vst v29  }
0x213: {  	v11 =	vsub.f32 v11, v13;
	v1 =	vadd.f32 v1, v24;
	v8 =	vmul.f32 v54, v18;
	[tilespmem:s22+$0x1A050] =	vst v55  }
0x214: {  	v57 =	vadd.f32 v20, v25;
	v10 =	vmul.f32 v10, v16;
	v5 =	vsub.f32 v5, v48;
	[tilespmem:s22+$0x1A040] =	vst v0  }
0x215: {  	v11 =	vmul.f32 v11, v17;
	v9 =	vsub.f32 v9, v21;
	v8 =	vadd.f32 v8, v22;
	[tilespmem:s22+$0x1A060] =	vst v1  }
0x216: {  	v6 =	vsub.f32 v6, v3;
	[tilespmem:s22+$0x1A070] =	vst v57;
	v59 =	vmul.f32 v5, v14;
	v61 =	vadd.f32 v10, v19  }
0x217: {  	v58 =	vadd.f32 v11, v13;
	v9 =	vmul.f32 v9, v15;
	v60 =	vsub.f32 v7, v4;
	[tilespmem:s22+$0x1A080] =	vst v8  }
0x218: {  	s20 =	sadd.s32 $0x1, s20;
	v63 =	vmul.f32 v6, v56;
	[tilespmem:s22+$0x1A0A0] =	vst v61;
	v0 =	vadd.f32 v59, v48  }
0x219: {  	p0 =	sne.s32 s20, $0x10;
	v62 =	vadd.f32 v9, v21;
	[tilespmem:s22+$0x1A090] =	vst v58;
	v5 =	vmul.f32 v60, v50  }
.Ltmp5:
0x21a: {  	v1 =	vadd.f32 v63, v3;
	[tilespmem:s22+$0x1A0C0] =	vst v0;
	(pc) =	sbr.rel @p0 .LBB2_4-.Ltmp5, $4  }
0x21b: {  	[tilespmem:s22+$0x1A0B0] =	vst v62;
	v2 =	vadd.f32 v5, v4  }
0x21c: {  	[tilespmem:s22+$0x1A0D0] =	vst v1  }
0x21d: {  	s21 =	sadd.s32 s21, s9;
	[tilespmem:s22+$0x1A0E0] =	vst v2  }
0x21e: {  	[hbm4b:s21+s11] =	stream.strided.scatter [tilespmem:s16], [sflag:$0x2], $0x2000, s12, s11, $0x38;
	[tilespmem:$0x1C000] =	vst v63  }
0x21f: {  	s19 =	sadd.s32 $0x1, s19  }
0x220: {  	_ =	swait.ge [sflag:s17], $0x2000;
	p0 =	sne.s32 s19, s10  }
.Ltmp6:
0x221: {  	[sflag:s17] =	ssyncset.done $0x0;
	(pc) =	sbr.rel @p0 .LBB2_1-.Ltmp6, $4  }
0x222: {  	[sflag:s17] =	ssyncadd.s32 $0xFFFFE000  }
0x223: {  	_ =	swait.ge [sflag:s18], $0x2000  }
0x224: {  	[sflag:s18] =	ssyncset.done $0x0  }
0x225: {  	[sflag:s18] =	ssyncadd.s32 $0xFFFFE000  }
0x226: {  	_ =	sfence.sel $0x180000  }
0x227: {  	[bflag:$0x0] =	sbarrier.arrive $0xFFFF  }
0x228: {  	p0 =	sne.s32 s2, $0x0;
	_ =	strace $0x90000047  }
0x229: {  	s0 =	sadd.s32 @!p0 $0x100000, s0;
	[bflag:$0x2] =	sbarrier.arrive $0xFFFF  }
0x22a: {  	[sflag:s0] =	ssyncadd.tile.s32 @!p0 $0x1;
	_ =	shalt  }
.Lfunc_end2:
_tile_overlayer_lowered:
.L_overlay_start_2:
0x22b: {  	(tag) =	ssettag $0x2  }
0x22c: {  	s0 =	rddreg [dreg:$0x0];
	s2 =	stileid.u32  }
0x22d: {  	s1 =	rddreg [dreg:$0x1];
	p0 =	sne.s32 s2, $0x0  }
0x22e: {  	s3 =	rddreg [dreg:$0x2];
	[bflag:$0x3] =	sbarrier.arrive $0xFFFF;
	s2 =	simm.s32 @!p0 $0x1C04  }
0x22f: {  	[timem:s3], [sflag:s2] =	dma.local @!p0 [hbm:s0], s1  }
0x230: {  	s0 =	simm.s32 @!p0 $0x4  }
0x231: {  	_ =	swait.ge @!p0 [sflag:s0], s1  }
0x232: {  	s1 =	ssub.s32 @!p0 $0x0, s1;
	[sflag:s0] =	ssyncset.done @!p0 $0x0  }
0x233: {  	[sflag:s0] =	ssyncadd.s32 @!p0 s1  }
0x234: {  	[bflag:$0x3] =	sbarrier.arrive $0xFFFF  }
0x235: {  	_ =	shalt  }

</sc_bundles>
